<compile_context>
chip_gen: v7x
topology: tpu7x:2x2x1
jax: 0.10.2.dev20260603
libtpu: 0.0.44.dev20260713+nightly
codegen_flags: <defaults>
</compile_context>

<pallas_src>
import functools

import jax
import jax.numpy as jnp
from jax import lax
from jax.experimental import pallas as pl
from jax.experimental.pallas import tpu as pltpu
from jax.experimental.pallas import tpu_sc as plsc


def kernel(user_idx, table):
    B = user_idx.shape[0]
    V, D = table.shape
    info = plsc.get_sparse_core_info()
    NC, NS, L = info.num_cores, info.num_subcores, info.num_lanes
    NW = NC * NS
    assert B % (NW * L) == 0
    b_per_w = B // NW
    half_w = b_per_w // 2

    mesh = plsc.VectorSubcoreMesh(core_axis_name="c", subcore_axis_name="s")

    @functools.partial(
        pl.kernel,
        mesh=mesh,
        out_type=jax.ShapeDtypeStruct((B, D), jnp.float32),
        scratch_types=[
            pltpu.VMEM((b_per_w,), jnp.int32),
            pltpu.VMEM((half_w, D), jnp.float32),
            pltpu.VMEM_SHARED((NS, half_w, D), jnp.float32),
            pltpu.SemaphoreType.DMA,
            pltpu.SemaphoreType.DMA,
        ],
    )
    def gather_kernel(
        idx_hbm, table_hbm, out_hbm, idx_v, rows_v, srows, sem_a, sem_b
    ):
        cid = lax.axis_index("c")
        sid = lax.axis_index("s")
        wid = sid * NC + cid
        base = wid * b_per_w
        pltpu.sync_copy(idx_hbm.at[pl.ds(base, b_per_w)], idx_v)

        def body_a(g, carry):
            vec = idx_v[pl.ds(g * L, L)]
            for k in range(L):
                r = vec[k]
                pltpu.async_copy(
                    table_hbm.at[pl.ds(r, 1), :],
                    rows_v.at[pl.ds(g * L + k, 1), :],
                    sem_a,
                )
            return carry

        def body_b(g, carry):
            vec = idx_v[pl.ds(half_w + g * L, L)]
            for k in range(L):
                r = vec[k]
                pltpu.async_copy(
                    table_hbm.at[pl.ds(r, 1), :],
                    srows.at[sid, pl.ds(g * L + k, 1), :],
                    sem_b,
                )
            return carry

        lax.fori_loop(0, half_w // L, body_a, 0)
        lax.fori_loop(0, half_w // L, body_b, 0)
        pltpu.make_async_copy(
            out_hbm.at[pl.ds(base, half_w)], rows_v, sem_a
        ).wait()
        pltpu.sync_copy(rows_v, out_hbm.at[pl.ds(base, half_w)])
        pltpu.make_async_copy(
            out_hbm.at[pl.ds(base, half_w)], srows.at[sid], sem_b
        ).wait()
        pltpu.sync_copy(srows.at[sid], out_hbm.at[pl.ds(base + half_w, half_w)])

    return gather_kernel(user_idx, table)

# --- scband reference (transcript-rebuilt; emitter-appended) ---
"""Pipeline reference for scband-user-embeddings-88545045775062 (READ-ONLY COPY).

The authoritative reference and input builder live on the scoring server;
editing this copy changes nothing except your own understanding.
"""

import jax, jax.numpy as jnp
import numpy as np

NUM_USERS = 1000000
EMBED_DIM = 64
BATCH = 16384

def setup_inputs(seed: int = 0) -> dict:
    key = jax.random.key(seed)
    k_idx, k_tab = jax.random.split(key)
    user_idx = jax.random.randint(k_idx, (BATCH,), 0, NUM_USERS, dtype=jnp.int64 if jax.config.read('jax_enable_x64') else jnp.int32)
    # nn.Embedding default init: N(0, 1)
    table = jax.random.normal(k_tab, (NUM_USERS, EMBED_DIM), dtype=jnp.float32)
    return {"user_idx": user_idx, "table": table}

def reference(user_idx, table):
    # UserEmbeddings.forward: embed = self.user_embedding(user_idx)
    embed = jnp.take(table, user_idx, axis=0)
    return embed

if __name__ == "__main__":
    import jax
    _d = setup_inputs()
    print(jax.jit(kernel)(*tuple(_d.values())))

</pallas_src>

<mosaic_0001>
#map = affine_map<(d0, d1) -> (0)>
#map1 = affine_map<(d0, d1) -> (0, 0)>
module attributes {stable_mosaic.version = 14 : i64} {
  func.func @gather_kernel(%arg0: i32, %arg1: i32, %arg2: memref<16384xi32, #tpu.memory_space<hbm>>, %arg3: memref<1000000x64xf32, #tpu.memory_space<hbm>>, %arg4: memref<16384x64xf32, #tpu.memory_space<hbm>>, %arg5: memref<512xi32, #tpu.memory_space<vmem>>, %arg6: memref<256x64xf32, #tpu.memory_space<vmem>>, %arg7: memref<16x256x64xf32, #tpu.memory_space<vmem_shared>>, %arg8: memref<!tpu.dma_semaphore, #tpu.memory_space<semaphore_mem>>, %arg9: memref<!tpu.dma_semaphore, #tpu.memory_space<semaphore_mem>>) attributes {dimension_semantics = [#tpu.dimension_semantics<core_parallel>, #tpu.dimension_semantics<subcore_parallel>], iteration_bounds = array<i64: 2, 16>, scalar_prefetch = 0 : i64, scratch_operands = 5 : i64, tpu.core_type = #tpu.core_type<sc_vector_subcore>, window_params = [{transform_indices = #map}, {transform_indices = #map1}, {transform_indices = #map1}]} {
    %mul3A = arith.constant 2 : i32
    %mul3A_0 = arith.muli %arg1, %mul3A : i32
    %add3A = arith.addi %mul3A_0, %arg0 : i32
    %mul3A_1 = arith.constant 512 : i32
    %mul3A_2 = arith.muli %add3A, %mul3A_1 : i32
    "tpu.region"() ({
      %run_scoped3A = tpu.sem_alloc : memref<!tpu.dma_semaphore, #tpu.memory_space<semaphore_mem>>
      %dma_start3A = tpu.memref_slice %arg2[%mul3A_2] : memref<16384xi32, #tpu.memory_space<hbm>> -> memref<512xi32, #tpu.memory_space<hbm>>
      %dma_start3A_25 = tpu.memref_slice %arg2[%mul3A_2] : memref<16384xi32, #tpu.memory_space<hbm>> -> memref<512xi32, #tpu.memory_space<hbm>>
      tpu.enqueue_dma source(%dma_start3A_25 : memref<512xi32, #tpu.memory_space<hbm>>) target(%arg5 : memref<512xi32, #tpu.memory_space<vmem>>) target_semaphore(%run_scoped3A : memref<!tpu.dma_semaphore, #tpu.memory_space<semaphore_mem>>)
      %dma_wait3A_26 = tpu.memref_slice %arg2[%mul3A_2] : memref<16384xi32, #tpu.memory_space<hbm>> -> memref<512xi32, #tpu.memory_space<hbm>>
      %dma_wait3A_27 = tpu.memref_slice %arg2[%mul3A_2] : memref<16384xi32, #tpu.memory_space<hbm>> -> memref<512xi32, #tpu.memory_space<hbm>>
      tpu.wait_dma2 semaphore(%run_scoped3A : memref<!tpu.dma_semaphore, #tpu.memory_space<semaphore_mem>>) src(%dma_wait3A_27 : memref<512xi32, #tpu.memory_space<hbm>>) dst(%arg5 : memref<512xi32, #tpu.memory_space<vmem>>)
      tpu.yield
    }) : () -> ()
    %scan3A = arith.constant 0 : i32
    %scan3A_3 = arith.constant 0 : i32
    %scan3A_4 = arith.constant 16 : i32
    %scan3A_5 = arith.addi %scan3A_3, %scan3A_4 : i32
    %scan3A_6 = arith.constant 1 : i32
    scf.for %scan3A_25 = %scan3A_3 to %scan3A_5 step %scan3A_6  : i32 {
      %mul3A_26 = arith.constant 16 : i32
      %mul3A_27 = arith.muli %scan3A_25, %mul3A_26 : i32
      %get3A = arith.index_cast %mul3A_27 : i32 to index
      %get3A_28 = tpu.vector_load %arg5[%get3A] {strides = array<i32>} : memref<512xi32, #tpu.memory_space<vmem>>, vector<16xi32>,
      %get3A_29 = vector.shape_cast %get3A_28 : vector<16xi32> to vector<16xi32>
      %slice3A = vector.extract_strided_slice %get3A_29 {offsets = [0], sizes = [1], strides = [1]} : vector<16xi32> to vector<1xi32>
      %squeeze3A = vector.extract %slice3A[0] : i32 from vector<1xi32>
      %mul3A_30 = arith.constant 16 : i32
      %mul3A_31 = arith.muli %scan3A_25, %mul3A_30 : i32
      %add3A_32 = arith.constant 0 : i32
      %add3A_33 = arith.addi %mul3A_31, %add3A_32 : i32
      %dma_start3A = arith.constant 0 : i32
      %dma_start3A_34 = tpu.memref_slice %arg6[%add3A_33, %dma_start3A] : memref<256x64xf32, #tpu.memory_space<vmem>> -> memref<1x64xf32, #tpu.memory_space<vmem>>
      %dma_start3A_35 = arith.constant 0 : i32
      %dma_start3A_36 = tpu.memref_slice %arg3[%squeeze3A, %dma_start3A_35] : memref<1000000x64xf32, #tpu.memory_space<hbm>> -> memref<1x64xf32, #tpu.memory_space<hbm>>
      %dma_start3A_37 = arith.constant 0 : i32
      %dma_start3A_38 = tpu.memref_slice %arg6[%add3A_33, %dma_start3A_37] : memref<256x64xf32, #tpu.memory_space<vmem>> -> memref<1x64xf32, #tpu.memory_space<vmem>>
      %dma_start3A_39 = arith.constant 0 : i32
      %dma_start3A_40 = tpu.memref_slice %arg3[%squeeze3A, %dma_start3A_39] : memref<1000000x64xf32, #tpu.memory_space<hbm>> -> memref<1x64xf32, #tpu.memory_space<hbm>>
      tpu.enqueue_dma source(%dma_start3A_40 : memref<1x64xf32, #tpu.memory_space<hbm>>) target(%dma_start3A_38 : memref<1x64xf32, #tpu.memory_space<vmem>>) target_semaphore(%arg8 : memref<!tpu.dma_semaphore, #tpu.memory_space<semaphore_mem>>)
      %slice3A_41 = vector.extract_strided_slice %get3A_29 {offsets = [1], sizes = [1], strides = [1]} : vector<16xi32> to vector<1xi32>
      %squeeze3A_42 = vector.extract %slice3A_41[0] : i32 from vector<1xi32>
      %mul3A_43 = arith.constant 16 : i32
      %mul3A_44 = arith.muli %scan3A_25, %mul3A_43 : i32
      %add3A_45 = arith.constant 1 : i32
      %add3A_46 = arith.addi %mul3A_44, %add3A_45 : i32
      %dma_start3A_47 = arith.constant 0 : i32
      %dma_start3A_48 = tpu.memref_slice %arg6[%add3A_46, %dma_start3A_47] : memref<256x64xf32, #tpu.memory_space<vmem>> -> memref<1x64xf32, #tpu.memory_space<vmem>>
      %dma_start3A_49 = arith.constant 0 : i32
      %dma_start3A_50 = tpu.memref_slice %arg3[%squeeze3A_42, %dma_start3A_49] : memref<1000000x64xf32, #tpu.memory_space<hbm>> -> memref<1x64xf32, #tpu.memory_space<hbm>>
      %dma_start3A_51 = arith.constant 0 : i32
      %dma_start3A_52 = tpu.memref_slice %arg6[%add3A_46, %dma_start3A_51] : memref<256x64xf32, #tpu.memory_space<vmem>> -> memref<1x64xf32, #tpu.memory_space<vmem>>
      %dma_start3A_53 = arith.constant 0 : i32
      %dma_start3A_54 = tpu.memref_slice %arg3[%squeeze3A_42, %dma_start3A_53] : memref<1000000x64xf32, #tpu.memory_space<hbm>> -> memref<1x64xf32, #tpu.memory_space<hbm>>
      tpu.enqueue_dma source(%dma_start3A_54 : memref<1x64xf32, #tpu.memory_space<hbm>>) target(%dma_start3A_52 : memref<1x64xf32, #tpu.memory_space<vmem>>) target_semaphore(%arg8 : memref<!tpu.dma_semaphore, #tpu.memory_space<semaphore_mem>>)
      %slice3A_55 = vector.extract_strided_slice %get3A_29 {offsets = [2], sizes = [1], strides = [1]} : vector<16xi32> to vector<1xi32>
      %squeeze3A_56 = vector.extract %slice3A_55[0] : i32 from vector<1xi32>
      %mul3A_57 = arith.constant 16 : i32
      %mul3A_58 = arith.muli %scan3A_25, %mul3A_57 : i32
      %add3A_59 = arith.constant 2 : i32
      %add3A_60 = arith.addi %mul3A_58, %add3A_59 : i32
      %dma_start3A_61 = arith.constant 0 : i32
      %dma_start3A_62 = tpu.memref_slice %arg6[%add3A_60, %dma_start3A_61] : memref<256x64xf32, #tpu.memory_space<vmem>> -> memref<1x64xf32, #tpu.memory_space<vmem>>
      %dma_start3A_63 = arith.constant 0 : i32
      %dma_start3A_64 = tpu.memref_slice %arg3[%squeeze3A_56, %dma_start3A_63] : memref<1000000x64xf32, #tpu.memory_space<hbm>> -> memref<1x64xf32, #tpu.memory_space<hbm>>
      %dma_start3A_65 = arith.constant 0 : i32
      %dma_start3A_66 = tpu.memref_slice %arg6[%add3A_60, %dma_start3A_65] : memref<256x64xf32, #tpu.memory_space<vmem>> -> memref<1x64xf32, #tpu.memory_space<vmem>>
      %dma_start3A_67 = arith.constant 0 : i32
      %dma_start3A_68 = tpu.memref_slice %arg3[%squeeze3A_56, %dma_start3A_67] : memref<1000000x64xf32, #tpu.memory_space<hbm>> -> memref<1x64xf32, #tpu.memory_space<hbm>>
      tpu.enqueue_dma source(%dma_start3A_68 : memref<1x64xf32, #tpu.memory_space<hbm>>) target(%dma_start3A_66 : memref<1x64xf32, #tpu.memory_space<vmem>>) target_semaphore(%arg8 : memref<!tpu.dma_semaphore, #tpu.memory_space<semaphore_mem>>)
      %slice3A_69 = vector.extract_strided_slice %get3A_29 {offsets = [3], sizes = [1], strides = [1]} : vector<16xi32> to vector<1xi32>
      %squeeze3A_70 = vector.extract %slice3A_69[0] : i32 from vector<1xi32>
      %mul3A_71 = arith.constant 16 : i32
      %mul3A_72 = arith.muli %scan3A_25, %mul3A_71 : i32
      %add3A_73 = arith.constant 3 : i32
      %add3A_74 = arith.addi %mul3A_72, %add3A_73 : i32
      %dma_start3A_75 = arith.constant 0 : i32
      %dma_start3A_76 = tpu.memref_slice %arg6[%add3A_74, %dma_start3A_75] : memref<256x64xf32, #tpu.memory_space<vmem>> -> memref<1x64xf32, #tpu.memory_space<vmem>>
      %dma_start3A_77 = arith.constant 0 : i32
      %dma_start3A_78 = tpu.memref_slice %arg3[%squeeze3A_70, %dma_start3A_77] : memref<1000000x64xf32, #tpu.memory_space<hbm>> -> memref<1x64xf32, #tpu.memory_space<hbm>>
      %dma_start3A_79 = arith.constant 0 : i32
      %dma_start3A_80 = tpu.memref_slice %arg6[%add3A_74, %dma_start3A_79] : memref<256x64xf32, #tpu.memory_space<vmem>> -> memref<1x64xf32, #tpu.memory_space<vmem>>
      %dma_start3A_81 = arith.constant 0 : i32
      %dma_start3A_82 = tpu.memref_slice %arg3[%squeeze3A_70, %dma_start3A_81] : memref<1000000x64xf32, #tpu.memory_space<hbm>> -> memref<1x64xf32, #tpu.memory_space<hbm>>
      tpu.enqueue_dma source(%dma_start3A_82 : memref<1x64xf32, #tpu.memory_space<hbm>>) target(%dma_start3A_80 : memref<1x64xf32, #tpu.memory_space<vmem>>) target_semaphore(%arg8 : memref<!tpu.dma_semaphore, #tpu.memory_space<semaphore_mem>>)
      %slice3A_83 = vector.extract_strided_slice %get3A_29 {offsets = [4], sizes = [1], strides = [1]} : vector<16xi32> to vector<1xi32>
      %squeeze3A_84 = vector.extract %slice3A_83[0] : i32 from vector<1xi32>
      %mul3A_85 = arith.constant 16 : i32
      %mul3A_86 = arith.muli %scan3A_25, %mul3A_85 : i32
      %add3A_87 = arith.constant 4 : i32
      %add3A_88 = arith.addi %mul3A_86, %add3A_87 : i32
      %dma_start3A_89 = arith.constant 0 : i32
      %dma_start3A_90 = tpu.memref_slice %arg6[%add3A_88, %dma_start3A_89] : memref<256x64xf32, #tpu.memory_space<vmem>> -> memref<1x64xf32, #tpu.memory_space<vmem>>
      %dma_start3A_91 = arith.constant 0 : i32
      %dma_start3A_92 = tpu.memref_slice %arg3[%squeeze3A_84, %dma_start3A_91] : memref<1000000x64xf32, #tpu.memory_space<hbm>> -> memref<1x64xf32, #tpu.memory_space<hbm>>
      %dma_start3A_93 = arith.constant 0 : i32
      %dma_start3A_94 = tpu.memref_slice %arg6[%add3A_88, %dma_start3A_93] : memref<256x64xf32, #tpu.memory_space<vmem>> -> memref<1x64xf32, #tpu.memory_space<vmem>>
      %dma_start3A_95 = arith.constant 0 : i32
      %dma_start3A_96 = tpu.memref_slice %arg3[%squeeze3A_84, %dma_start3A_95] : memref<1000000x64xf32, #tpu.memory_space<hbm>> -> memref<1x64xf32, #tpu.memory_space<hbm>>
      tpu.enqueue_dma source(%dma_start3A_96 : memref<1x64xf32, #tpu.memory_space<hbm>>) target(%dma_start3A_94 : memref<1x64xf32, #tpu.memory_space<vmem>>) target_semaphore(%arg8 : memref<!tpu.dma_semaphore, #tpu.memory_space<semaphore_mem>>)
      %slice3A_97 = vector.extract_strided_slice %get3A_29 {offsets = [5], sizes = [1], strides = [1]} : vector<16xi32> to vector<1xi32>
      %squeeze3A_98 = vector.extract %slice3A_97[0] : i32 from vector<1xi32>
      %mul3A_99 = arith.constant 16 : i32
      %mul3A_100 = arith.muli %scan3A_25, %mul3A_99 : i32
      %add3A_101 = arith.constant 5 : i32
      %add3A_102 = arith.addi %mul3A_100, %add3A_101 : i32
      %dma_start3A_103 = arith.constant 0 : i32
      %dma_start3A_104 = tpu.memref_slice %arg6[%add3A_102, %dma_start3A_103] : memref<256x64xf32, #tpu.memory_space<vmem>> -> memref<1x64xf32, #tpu.memory_space<vmem>>
      %dma_start3A_105 = arith.constant 0 : i32
      %dma_start3A_106 = tpu.memref_slice %arg3[%squeeze3A_98, %dma_start3A_105] : memref<1000000x64xf32, #tpu.memory_space<hbm>> -> memref<1x64xf32, #tpu.memory_space<hbm>>
      %dma_start3A_107 = arith.constant 0 : i32
      %dma_start3A_108 = tpu.memref_slice %arg6[%add3A_102, %dma_start3A_107] : memref<256x64xf32, #tpu.memory_space<vmem>> -> memref<1x64xf32, #tpu.memory_space<vmem>>
      %dma_start3A_109 = arith.constant 0 : i32
      %dma_start3A_110 = tpu.memref_slice %arg3[%squeeze3A_98, %dma_start3A_109] : memref<1000000x64xf32, #tpu.memory_space<hbm>> -> memref<1x64xf32, #tpu.memory_space<hbm>>
      tpu.enqueue_dma source(%dma_start3A_110 : memref<1x64xf32, #tpu.memory_space<hbm>>) target(%dma_start3A_108 : memref<1x64xf32, #tpu.memory_space<vmem>>) target_semaphore(%arg8 : memref<!tpu.dma_semaphore, #tpu.memory_space<semaphore_mem>>)
      %slice3A_111 = vector.extract_strided_slice %get3A_29 {offsets = [6], sizes = [1], strides = [1]} : vector<16xi32> to vector<1xi32>
      %squeeze3A_112 = vector.extract %slice3A_111[0] : i32 from vector<1xi32>
      %mul3A_113 = arith.constant 16 : i32
      %mul3A_114 = arith.muli %scan3A_25, %mul3A_113 : i32
      %add3A_115 = arith.constant 6 : i32
      %add3A_116 = arith.addi %mul3A_114, %add3A_115 : i32
      %dma_start3A_117 = arith.constant 0 : i32
      %dma_start3A_118 = tpu.memref_slice %arg6[%add3A_116, %dma_start3A_117] : memref<256x64xf32, #tpu.memory_space<vmem>> -> memref<1x64xf32, #tpu.memory_space<vmem>>
      %dma_start3A_119 = arith.constant 0 : i32
      %dma_start3A_120 = tpu.memref_slice %arg3[%squeeze3A_112, %dma_start3A_119] : memref<1000000x64xf32, #tpu.memory_space<hbm>> -> memref<1x64xf32, #tpu.memory_space<hbm>>
      %dma_start3A_121 = arith.constant 0 : i32
      %dma_start3A_122 = tpu.memref_slice %arg6[%add3A_116, %dma_start3A_121] : memref<256x64xf32, #tpu.memory_space<vmem>> -> memref<1x64xf32, #tpu.memory_space<vmem>>
      %dma_start3A_123 = arith.constant 0 : i32
      %dma_start3A_124 = tpu.memref_slice %arg3[%squeeze3A_112, %dma_start3A_123] : memref<1000000x64xf32, #tpu.memory_space<hbm>> -> memref<1x64xf32, #tpu.memory_space<hbm>>
      tpu.enqueue_dma source(%dma_start3A_124 : memref<1x64xf32, #tpu.memory_space<hbm>>) target(%dma_start3A_122 : memref<1x64xf32, #tpu.memory_space<vmem>>) target_semaphore(%arg8 : memref<!tpu.dma_semaphore, #tpu.memory_space<semaphore_mem>>)
      %slice3A_125 = vector.extract_strided_slice %get3A_29 {offsets = [7], sizes = [1], strides = [1]} : vector<16xi32> to vector<1xi32>
      %squeeze3A_126 = vector.extract %slice3A_125[0] : i32 from vector<1xi32>
      %mul3A_127 = arith.constant 16 : i32
      %mul3A_128 = arith.muli %scan3A_25, %mul3A_127 : i32
      %add3A_129 = arith.constant 7 : i32
      %add3A_130 = arith.addi %mul3A_128, %add3A_129 : i32
      %dma_start3A_131 = arith.constant 0 : i32
      %dma_start3A_132 = tpu.memref_slice %arg6[%add3A_130, %dma_start3A_131] : memref<256x64xf32, #tpu.memory_space<vmem>> -> memref<1x64xf32, #tpu.memory_space<vmem>>
      %dma_start3A_133 = arith.constant 0 : i32
      %dma_start3A_134 = tpu.memref_slice %arg3[%squeeze3A_126, %dma_start3A_133] : memref<1000000x64xf32, #tpu.memory_space<hbm>> -> memref<1x64xf32, #tpu.memory_space<hbm>>
      %dma_start3A_135 = arith.constant 0 : i32
      %dma_start3A_136 = tpu.memref_slice %arg6[%add3A_130, %dma_start3A_135] : memref<256x64xf32, #tpu.memory_space<vmem>> -> memref<1x64xf32, #tpu.memory_space<vmem>>
      %dma_start3A_137 = arith.constant 0 : i32
      %dma_start3A_138 = tpu.memref_slice %arg3[%squeeze3A_126, %dma_start3A_137] : memref<1000000x64xf32, #tpu.memory_space<hbm>> -> memref<1x64xf32, #tpu.memory_space<hbm>>
      tpu.enqueue_dma source(%dma_start3A_138 : memref<1x64xf32, #tpu.memory_space<hbm>>) target(%dma_start3A_136 : memref<1x64xf32, #tpu.memory_space<vmem>>) target_semaphore(%arg8 : memref<!tpu.dma_semaphore, #tpu.memory_space<semaphore_mem>>)
      %slice3A_139 = vector.extract_strided_slice %get3A_29 {offsets = [8], sizes = [1], strides = [1]} : vector<16xi32> to vector<1xi32>
      %squeeze3A_140 = vector.extract %slice3A_139[0] : i32 from vector<1xi32>
      %mul3A_141 = arith.constant 16 : i32
      %mul3A_142 = arith.muli %scan3A_25, %mul3A_141 : i32
      %add3A_143 = arith.constant 8 : i32
      %add3A_144 = arith.addi %mul3A_142, %add3A_143 : i32
      %dma_start3A_145 = arith.constant 0 : i32
      %dma_start3A_146 = tpu.memref_slice %arg6[%add3A_144, %dma_start3A_145] : memref<256x64xf32, #tpu.memory_space<vmem>> -> memref<1x64xf32, #tpu.memory_space<vmem>>
      %dma_start3A_147 = arith.constant 0 : i32
      %dma_start3A_148 = tpu.memref_slice %arg3[%squeeze3A_140, %dma_start3A_147] : memref<1000000x64xf32, #tpu.memory_space<hbm>> -> memref<1x64xf32, #tpu.memory_space<hbm>>
      %dma_start3A_149 = arith.constant 0 : i32
      %dma_start3A_150 = tpu.memref_slice %arg6[%add3A_144, %dma_start3A_149] : memref<256x64xf32, #tpu.memory_space<vmem>> -> memref<1x64xf32, #tpu.memory_space<vmem>>
      %dma_start3A_151 = arith.constant 0 : i32
      %dma_start3A_152 = tpu.memref_slice %arg3[%squeeze3A_140, %dma_start3A_151] : memref<1000000x64xf32, #tpu.memory_space<hbm>> -> memref<1x64xf32, #tpu.memory_space<hbm>>
      tpu.enqueue_dma source(%dma_start3A_152 : memref<1x64xf32, #tpu.memory_space<hbm>>) target(%dma_start3A_150 : memref<1x64xf32, #tpu.memory_space<vmem>>) target_semaphore(%arg8 : memref<!tpu.dma_semaphore, #tpu.memory_space<semaphore_mem>>)
      %slice3A_153 = vector.extract_strided_slice %get3A_29 {offsets = [9], sizes = [1], strides = [1]} : vector<16xi32> to vector<1xi32>
      %squeeze3A_154 = vector.extract %slice3A_153[0] : i32 from vector<1xi32>
      %mul3A_155 = arith.constant 16 : i32
      %mul3A_156 = arith.muli %scan3A_25, %mul3A_155 : i32
      %add3A_157 = arith.constant 9 : i32
      %add3A_158 = arith.addi %mul3A_156, %add3A_157 : i32
      %dma_start3A_159 = arith.constant 0 : i32
      %dma_start3A_160 = tpu.memref_slice %arg6[%add3A_158, %dma_start3A_159] : memref<256x64xf32, #tpu.memory_space<vmem>> -> memref<1x64xf32, #tpu.memory_space<vmem>>
      %dma_start3A_161 = arith.constant 0 : i32
      %dma_start3A_162 = tpu.memref_slice %arg3[%squeeze3A_154, %dma_start3A_161] : memref<1000000x64xf32, #tpu.memory_space<hbm>> -> memref<1x64xf32, #tpu.memory_space<hbm>>
      %dma_start3A_163 = arith.constant 0 : i32
      %dma_start3A_164 = tpu.memref_slice %arg6[%add3A_158, %dma_start3A_163] : memref<256x64xf32, #tpu.memory_space<vmem>> -> memref<1x64xf32, #tpu.memory_space<vmem>>
      %dma_start3A_165 = arith.constant 0 : i32
      %dma_start3A_166 = tpu.memref_slice %arg3[%squeeze3A_154, %dma_start3A_165] : memref<1000000x64xf32, #tpu.memory_space<hbm>> -> memref<1x64xf32, #tpu.memory_space<hbm>>
      tpu.enqueue_dma source(%dma_start3A_166 : memref<1x64xf32, #tpu.memory_space<hbm>>) target(%dma_start3A_164 : memref<1x64xf32, #tpu.memory_space<vmem>>) target_semaphore(%arg8 : memref<!tpu.dma_semaphore, #tpu.memory_space<semaphore_mem>>)
      %slice3A_167 = vector.extract_strided_slice %get3A_29 {offsets = [10], sizes = [1], strides = [1]} : vector<16xi32> to vector<1xi32>
      %squeeze3A_168 = vector.extract %slice3A_167[0] : i32 from vector<1xi32>
      %mul3A_169 = arith.constant 16 : i32
      %mul3A_170 = arith.muli %scan3A_25, %mul3A_169 : i32
      %add3A_171 = arith.constant 10 : i32
      %add3A_172 = arith.addi %mul3A_170, %add3A_171 : i32
      %dma_start3A_173 = arith.constant 0 : i32
      %dma_start3A_174 = tpu.memref_slice %arg6[%add3A_172, %dma_start3A_173] : memref<256x64xf32, #tpu.memory_space<vmem>> -> memref<1x64xf32, #tpu.memory_space<vmem>>
      %dma_start3A_175 = arith.constant 0 : i32
      %dma_start3A_176 = tpu.memref_slice %arg3[%squeeze3A_168, %dma_start3A_175] : memref<1000000x64xf32, #tpu.memory_space<hbm>> -> memref<1x64xf32, #tpu.memory_space<hbm>>
      %dma_start3A_177 = arith.constant 0 : i32
      %dma_start3A_178 = tpu.memref_slice %arg6[%add3A_172, %dma_start3A_177] : memref<256x64xf32, #tpu.memory_space<vmem>> -> memref<1x64xf32, #tpu.memory_space<vmem>>
      %dma_start3A_179 = arith.constant 0 : i32
      %dma_start3A_180 = tpu.memref_slice %arg3[%squeeze3A_168, %dma_start3A_179] : memref<1000000x64xf32, #tpu.memory_space<hbm>> -> memref<1x64xf32, #tpu.memory_space<hbm>>
      tpu.enqueue_dma source(%dma_start3A_180 : memref<1x64xf32, #tpu.memory_space<hbm>>) target(%dma_start3A_178 : memref<1x64xf32, #tpu.memory_space<vmem>>) target_semaphore(%arg8 : memref<!tpu.dma_semaphore, #tpu.memory_space<semaphore_mem>>)
      %slice3A_181 = vector.extract_strided_slice %get3A_29 {offsets = [11], sizes = [1], strides = [1]} : vector<16xi32> to vector<1xi32>
      %squeeze3A_182 = vector.extract %slice3A_181[0] : i32 from vector<1xi32>
      %mul3A_183 = arith.constant 16 : i32
      %mul3A_184 = arith.muli %scan3A_25, %mul3A_183 : i32
      %add3A_185 = arith.constant 11 : i32
      %add3A_186 = arith.addi %mul3A_184, %add3A_185 : i32
      %dma_start3A_187 = arith.constant 0 : i32
      %dma_start3A_188 = tpu.memref_slice %arg6[%add3A_186, %dma_start3A_187] : memref<256x64xf32, #tpu.memory_space<vmem>> -> memref<1x64xf32, #tpu.memory_space<vmem>>
      %dma_start3A_189 = arith.constant 0 : i32
      %dma_start3A_190 = tpu.memref_slice %arg3[%squeeze3A_182, %dma_start3A_189] : memref<1000000x64xf32, #tpu.memory_space<hbm>> -> memref<1x64xf32, #tpu.memory_space<hbm>>
      %dma_start3A_191 = arith.constant 0 : i32
      %dma_start3A_192 = tpu.memref_slice %arg6[%add3A_186, %dma_start3A_191] : memref<256x64xf32, #tpu.memory_space<vmem>> -> memref<1x64xf32, #tpu.memory_space<vmem>>
      %dma_start3A_193 = arith.constant 0 : i32
      %dma_start3A_194 = tpu.memref_slice %arg3[%squeeze3A_182, %dma_start3A_193] : memref<1000000x64xf32, #tpu.memory_space<hbm>> -> memref<1x64xf32, #tpu.memory_space<hbm>>
      tpu.enqueue_dma source(%dma_start3A_194 : memref<1x64xf32, #tpu.memory_space<hbm>>) target(%dma_start3A_192 : memref<1x64xf32, #tpu.memory_space<vmem>>) target_semaphore(%arg8 : memref<!tpu.dma_semaphore, #tpu.memory_space<semaphore_mem>>)
      %slice3A_195 = vector.extract_strided_slice %get3A_29 {offsets = [12], sizes = [1], strides = [1]} : vector<16xi32> to vector<1xi32>
      %squeeze3A_196 = vector.extract %slice3A_195[0] : i32 from vector<1xi32>
      %mul3A_197 = arith.constant 16 : i32
      %mul3A_198 = arith.muli %scan3A_25, %mul3A_197 : i32
      %add3A_199 = arith.constant 12 : i32
      %add3A_200 = arith.addi %mul3A_198, %add3A_199 : i32
      %dma_start3A_201 = arith.constant 0 : i32
      %dma_start3A_202 = tpu.memref_slice %arg6[%add3A_200, %dma_start3A_201] : memref<256x64xf32, #tpu.memory_space<vmem>> -> memref<1x64xf32, #tpu.memory_space<vmem>>
      %dma_start3A_203 = arith.constant 0 : i32
      %dma_start3A_204 = tpu.memref_slice %arg3[%squeeze3A_196, %dma_start3A_203] : memref<1000000x64xf32, #tpu.memory_space<hbm>> -> memref<1x64xf32, #tpu.memory_space<hbm>>
      %dma_start3A_205 = arith.constant 0 : i32
      %dma_start3A_206 = tpu.memref_slice %arg6[%add3A_200, %dma_start3A_205] : memref<256x64xf32, #tpu.memory_space<vmem>> -> memref<1x64xf32, #tpu.memory_space<vmem>>
      %dma_start3A_207 = arith.constant 0 : i32
      %dma_start3A_208 = tpu.memref_slice %arg3[%squeeze3A_196, %dma_start3A_207] : memref<1000000x64xf32, #tpu.memory_space<hbm>> -> memref<1x64xf32, #tpu.memory_space<hbm>>
      tpu.enqueue_dma source(%dma_start3A_208 : memref<1x64xf32, #tpu.memory_space<hbm>>) target(%dma_start3A_206 : memref<1x64xf32, #tpu.memory_space<vmem>>) target_semaphore(%arg8 : memref<!tpu.dma_semaphore, #tpu.memory_space<semaphore_mem>>)
      %slice3A_209 = vector.extract_strided_slice %get3A_29 {offsets = [13], sizes = [1], strides = [1]} : vector<16xi32> to vector<1xi32>
      %squeeze3A_210 = vector.extract %slice3A_209[0] : i32 from vector<1xi32>
      %mul3A_211 = arith.constant 16 : i32
      %mul3A_212 = arith.muli %scan3A_25, %mul3A_211 : i32
      %add3A_213 = arith.constant 13 : i32
      %add3A_214 = arith.addi %mul3A_212, %add3A_213 : i32
      %dma_start3A_215 = arith.constant 0 : i32
      %dma_start3A_216 = tpu.memref_slice %arg6[%add3A_214, %dma_start3A_215] : memref<256x64xf32, #tpu.memory_space<vmem>> -> memref<1x64xf32, #tpu.memory_space<vmem>>
      %dma_start3A_217 = arith.constant 0 : i32
      %dma_start3A_218 = tpu.memref_slice %arg3[%squeeze3A_210, %dma_start3A_217] : memref<1000000x64xf32, #tpu.memory_space<hbm>> -> memref<1x64xf32, #tpu.memory_space<hbm>>
      %dma_start3A_219 = arith.constant 0 : i32
      %dma_start3A_220 = tpu.memref_slice %arg6[%add3A_214, %dma_start3A_219] : memref<256x64xf32, #tpu.memory_space<vmem>> -> memref<1x64xf32, #tpu.memory_space<vmem>>
      %dma_start3A_221 = arith.constant 0 : i32
      %dma_start3A_222 = tpu.memref_slice %arg3[%squeeze3A_210, %dma_start3A_221] : memref<1000000x64xf32, #tpu.memory_space<hbm>> -> memref<1x64xf32, #tpu.memory_space<hbm>>
      tpu.enqueue_dma source(%dma_start3A_222 : memref<1x64xf32, #tpu.memory_space<hbm>>) target(%dma_start3A_220 : memref<1x64xf32, #tpu.memory_space<vmem>>) target_semaphore(%arg8 : memref<!tpu.dma_semaphore, #tpu.memory_space<semaphore_mem>>)
      %slice3A_223 = vector.extract_strided_slice %get3A_29 {offsets = [14], sizes = [1], strides = [1]} : vector<16xi32> to vector<1xi32>
      %squeeze3A_224 = vector.extract %slice3A_223[0] : i32 from vector<1xi32>
      %mul3A_225 = arith.constant 16 : i32
      %mul3A_226 = arith.muli %scan3A_25, %mul3A_225 : i32
      %add3A_227 = arith.constant 14 : i32
      %add3A_228 = arith.addi %mul3A_226, %add3A_227 : i32
      %dma_start3A_229 = arith.constant 0 : i32
      %dma_start3A_230 = tpu.memref_slice %arg6[%add3A_228, %dma_start3A_229] : memref<256x64xf32, #tpu.memory_space<vmem>> -> memref<1x64xf32, #tpu.memory_space<vmem>>
      %dma_start3A_231 = arith.constant 0 : i32
      %dma_start3A_232 = tpu.memref_slice %arg3[%squeeze3A_224, %dma_start3A_231] : memref<1000000x64xf32, #tpu.memory_space<hbm>> -> memref<1x64xf32, #tpu.memory_space<hbm>>
      %dma_start3A_233 = arith.constant 0 : i32
      %dma_start3A_234 = tpu.memref_slice %arg6[%add3A_228, %dma_start3A_233] : memref<256x64xf32, #tpu.memory_space<vmem>> -> memref<1x64xf32, #tpu.memory_space<vmem>>
      %dma_start3A_235 = arith.constant 0 : i32
      %dma_start3A_236 = tpu.memref_slice %arg3[%squeeze3A_224, %dma_start3A_235] : memref<1000000x64xf32, #tpu.memory_space<hbm>> -> memref<1x64xf32, #tpu.memory_space<hbm>>
      tpu.enqueue_dma source(%dma_start3A_236 : memref<1x64xf32, #tpu.memory_space<hbm>>) target(%dma_start3A_234 : memref<1x64xf32, #tpu.memory_space<vmem>>) target_semaphore(%arg8 : memref<!tpu.dma_semaphore, #tpu.memory_space<semaphore_mem>>)
      %slice3A_237 = vector.extract_strided_slice %get3A_29 {offsets = [15], sizes = [1], strides = [1]} : vector<16xi32> to vector<1xi32>
      %squeeze3A_238 = vector.extract %slice3A_237[0] : i32 from vector<1xi32>
      %mul3A_239 = arith.constant 16 : i32
      %mul3A_240 = arith.muli %scan3A_25, %mul3A_239 : i32
      %add3A_241 = arith.constant 15 : i32
      %add3A_242 = arith.addi %mul3A_240, %add3A_241 : i32
      %dma_start3A_243 = arith.constant 0 : i32
      %dma_start3A_244 = tpu.memref_slice %arg6[%add3A_242, %dma_start3A_243] : memref<256x64xf32, #tpu.memory_space<vmem>> -> memref<1x64xf32, #tpu.memory_space<vmem>>
      %dma_start3A_245 = arith.constant 0 : i32
      %dma_start3A_246 = tpu.memref_slice %arg3[%squeeze3A_238, %dma_start3A_245] : memref<1000000x64xf32, #tpu.memory_space<hbm>> -> memref<1x64xf32, #tpu.memory_space<hbm>>
      %dma_start3A_247 = arith.constant 0 : i32
      %dma_start3A_248 = tpu.memref_slice %arg6[%add3A_242, %dma_start3A_247] : memref<256x64xf32, #tpu.memory_space<vmem>> -> memref<1x64xf32, #tpu.memory_space<vmem>>
      %dma_start3A_249 = arith.constant 0 : i32
      %dma_start3A_250 = tpu.memref_slice %arg3[%squeeze3A_238, %dma_start3A_249] : memref<1000000x64xf32, #tpu.memory_space<hbm>> -> memref<1x64xf32, #tpu.memory_space<hbm>>
      tpu.enqueue_dma source(%dma_start3A_250 : memref<1x64xf32, #tpu.memory_space<hbm>>) target(%dma_start3A_248 : memref<1x64xf32, #tpu.memory_space<vmem>>) target_semaphore(%arg8 : memref<!tpu.dma_semaphore, #tpu.memory_space<semaphore_mem>>)
    }
    %scan3A_7 = arith.constant 16 : i32
    %scan3A_8 = arith.constant 0 : i32
    %scan3A_9 = arith.constant 0 : i32
    %scan3A_10 = arith.constant 16 : i32
    %scan3A_11 = arith.addi %scan3A_9, %scan3A_10 : i32
    %scan3A_12 = arith.constant 1 : i32
    scf.for %scan3A_25 = %scan3A_9 to %scan3A_11 step %scan3A_12  : i32 {
      %mul3A_26 = arith.constant 16 : i32
      %mul3A_27 = arith.muli %scan3A_25, %mul3A_26 : i32
      %add3A_28 = arith.constant 256 : i32
      %add3A_29 = arith.addi %add3A_28, %mul3A_27 : i32
      %get3A = arith.index_cast %add3A_29 : i32 to index
      %get3A_30 = tpu.vector_load %arg5[%get3A] {strides = array<i32>} : memref<512xi32, #tpu.memory_space<vmem>>, vector<16xi32>,
      %get3A_31 = vector.shape_cast %get3A_30 : vector<16xi32> to vector<16xi32>
      %slice3A = vector.extract_strided_slice %get3A_31 {offsets = [0], sizes = [1], strides = [1]} : vector<16xi32> to vector<1xi32>
      %squeeze3A = vector.extract %slice3A[0] : i32 from vector<1xi32>
      %mul3A_32 = arith.constant 16 : i32
      %mul3A_33 = arith.muli %scan3A_25, %mul3A_32 : i32
      %add3A_34 = arith.constant 0 : i32
      %add3A_35 = arith.addi %mul3A_33, %add3A_34 : i32
      %dma_start3A = arith.constant 0 : i32
      %dma_start3A_36 = tpu.memref_slice %arg7[%arg1, %add3A_35, %dma_start3A] : memref<16x256x64xf32, #tpu.memory_space<vmem_shared>> -> memref<1x1x64xf32, #tpu.memory_space<vmem_shared>>
      %dma_start3A_37 = tpu.memref_squeeze %dma_start3A_36 : memref<1x1x64xf32, #tpu.memory_space<vmem_shared>> -> memref<1x64xf32, #tpu.memory_space<vmem_shared>>
      %dma_start3A_38 = arith.constant 0 : i32
      %dma_start3A_39 = tpu.memref_slice %arg3[%squeeze3A, %dma_start3A_38] : memref<1000000x64xf32, #tpu.memory_space<hbm>> -> memref<1x64xf32, #tpu.memory_space<hbm>>
      tpu.enqueue_dma source(%dma_start3A_39 : memref<1x64xf32, #tpu.memory_space<hbm>>) target(%dma_start3A_37 : memref<1x64xf32, #tpu.memory_space<vmem_shared>>) target_semaphore(%arg9 : memref<!tpu.dma_semaphore, #tpu.memory_space<semaphore_mem>>)
      %slice3A_40 = vector.extract_strided_slice %get3A_31 {offsets = [1], sizes = [1], strides = [1]} : vector<16xi32> to vector<1xi32>
      %squeeze3A_41 = vector.extract %slice3A_40[0] : i32 from vector<1xi32>
      %mul3A_42 = arith.constant 16 : i32
      %mul3A_43 = arith.muli %scan3A_25, %mul3A_42 : i32
      %add3A_44 = arith.constant 1 : i32
      %add3A_45 = arith.addi %mul3A_43, %add3A_44 : i32
      %dma_start3A_46 = arith.constant 0 : i32
      %dma_start3A_47 = tpu.memref_slice %arg7[%arg1, %add3A_45, %dma_start3A_46] : memref<16x256x64xf32, #tpu.memory_space<vmem_shared>> -> memref<1x1x64xf32, #tpu.memory_space<vmem_shared>>
      %dma_start3A_48 = tpu.memref_squeeze %dma_start3A_47 : memref<1x1x64xf32, #tpu.memory_space<vmem_shared>> -> memref<1x64xf32, #tpu.memory_space<vmem_shared>>
      %dma_start3A_49 = arith.constant 0 : i32
      %dma_start3A_50 = tpu.memref_slice %arg3[%squeeze3A_41, %dma_start3A_49] : memref<1000000x64xf32, #tpu.memory_space<hbm>> -> memref<1x64xf32, #tpu.memory_space<hbm>>
      tpu.enqueue_dma source(%dma_start3A_50 : memref<1x64xf32, #tpu.memory_space<hbm>>) target(%dma_start3A_48 : memref<1x64xf32, #tpu.memory_space<vmem_shared>>) target_semaphore(%arg9 : memref<!tpu.dma_semaphore, #tpu.memory_space<semaphore_mem>>)
      %slice3A_51 = vector.extract_strided_slice %get3A_31 {offsets = [2], sizes = [1], strides = [1]} : vector<16xi32> to vector<1xi32>
      %squeeze3A_52 = vector.extract %slice3A_51[0] : i32 from vector<1xi32>
      %mul3A_53 = arith.constant 16 : i32
      %mul3A_54 = arith.muli %scan3A_25, %mul3A_53 : i32
      %add3A_55 = arith.constant 2 : i32
      %add3A_56 = arith.addi %mul3A_54, %add3A_55 : i32
      %dma_start3A_57 = arith.constant 0 : i32
      %dma_start3A_58 = tpu.memref_slice %arg7[%arg1, %add3A_56, %dma_start3A_57] : memref<16x256x64xf32, #tpu.memory_space<vmem_shared>> -> memref<1x1x64xf32, #tpu.memory_space<vmem_shared>>
      %dma_start3A_59 = tpu.memref_squeeze %dma_start3A_58 : memref<1x1x64xf32, #tpu.memory_space<vmem_shared>> -> memref<1x64xf32, #tpu.memory_space<vmem_shared>>
      %dma_start3A_60 = arith.constant 0 : i32
      %dma_start3A_61 = tpu.memref_slice %arg3[%squeeze3A_52, %dma_start3A_60] : memref<1000000x64xf32, #tpu.memory_space<hbm>> -> memref<1x64xf32, #tpu.memory_space<hbm>>
      tpu.enqueue_dma source(%dma_start3A_61 : memref<1x64xf32, #tpu.memory_space<hbm>>) target(%dma_start3A_59 : memref<1x64xf32, #tpu.memory_space<vmem_shared>>) target_semaphore(%arg9 : memref<!tpu.dma_semaphore, #tpu.memory_space<semaphore_mem>>)
      %slice3A_62 = vector.extract_strided_slice %get3A_31 {offsets = [3], sizes = [1], strides = [1]} : vector<16xi32> to vector<1xi32>
      %squeeze3A_63 = vector.extract %slice3A_62[0] : i32 from vector<1xi32>
      %mul3A_64 = arith.constant 16 : i32
      %mul3A_65 = arith.muli %scan3A_25, %mul3A_64 : i32
      %add3A_66 = arith.constant 3 : i32
      %add3A_67 = arith.addi %mul3A_65, %add3A_66 : i32
      %dma_start3A_68 = arith.constant 0 : i32
      %dma_start3A_69 = tpu.memref_slice %arg7[%arg1, %add3A_67, %dma_start3A_68] : memref<16x256x64xf32, #tpu.memory_space<vmem_shared>> -> memref<1x1x64xf32, #tpu.memory_space<vmem_shared>>
      %dma_start3A_70 = tpu.memref_squeeze %dma_start3A_69 : memref<1x1x64xf32, #tpu.memory_space<vmem_shared>> -> memref<1x64xf32, #tpu.memory_space<vmem_shared>>
      %dma_start3A_71 = arith.constant 0 : i32
      %dma_start3A_72 = tpu.memref_slice %arg3[%squeeze3A_63, %dma_start3A_71] : memref<1000000x64xf32, #tpu.memory_space<hbm>> -> memref<1x64xf32, #tpu.memory_space<hbm>>
      tpu.enqueue_dma source(%dma_start3A_72 : memref<1x64xf32, #tpu.memory_space<hbm>>) target(%dma_start3A_70 : memref<1x64xf32, #tpu.memory_space<vmem_shared>>) target_semaphore(%arg9 : memref<!tpu.dma_semaphore, #tpu.memory_space<semaphore_mem>>)
      %slice3A_73 = vector.extract_strided_slice %get3A_31 {offsets = [4], sizes = [1], strides = [1]} : vector<16xi32> to vector<1xi32>
      %squeeze3A_74 = vector.extract %slice3A_73[0] : i32 from vector<1xi32>
      %mul3A_75 = arith.constant 16 : i32
      %mul3A_76 = arith.muli %scan3A_25, %mul3A_75 : i32
      %add3A_77 = arith.constant 4 : i32
      %add3A_78 = arith.addi %mul3A_76, %add3A_77 : i32
      %dma_start3A_79 = arith.constant 0 : i32
      %dma_start3A_80 = tpu.memref_slice %arg7[%arg1, %add3A_78, %dma_start3A_79] : memref<16x256x64xf32, #tpu.memory_space<vmem_shared>> -> memref<1x1x64xf32, #tpu.memory_space<vmem_shared>>
      %dma_start3A_81 = tpu.memref_squeeze %dma_start3A_80 : memref<1x1x64xf32, #tpu.memory_space<vmem_shared>> -> memref<1x64xf32, #tpu.memory_space<vmem_shared>>
      %dma_start3A_82 = arith.constant 0 : i32
      %dma_start3A_83 = tpu.memref_slice %arg3[%squeeze3A_74, %dma_start3A_82] : memref<1000000x64xf32, #tpu.memory_space<hbm>> -> memref<1x64xf32, #tpu.memory_space<hbm>>
      tpu.enqueue_dma source(%dma_start3A_83 : memref<1x64xf32, #tpu.memory_space<hbm>>) target(%dma_start3A_81 : memref<1x64xf32, #tpu.memory_space<vmem_shared>>) target_semaphore(%arg9 : memref<!tpu.dma_semaphore, #tpu.memory_space<semaphore_mem>>)
      %slice3A_84 = vector.extract_strided_slice %get3A_31 {offsets = [5], sizes = [1], strides = [1]} : vector<16xi32> to vector<1xi32>
      %squeeze3A_85 = vector.extract %slice3A_84[0] : i32 from vector<1xi32>
      %mul3A_86 = arith.constant 16 : i32
      %mul3A_87 = arith.muli %scan3A_25, %mul3A_86 : i32
      %add3A_88 = arith.constant 5 : i32
      %add3A_89 = arith.addi %mul3A_87, %add3A_88 : i32
      %dma_start3A_90 = arith.constant 0 : i32
      %dma_start3A_91 = tpu.memref_slice %arg7[%arg1, %add3A_89, %dma_start3A_90] : memref<16x256x64xf32, #tpu.memory_space<vmem_shared>> -> memref<1x1x64xf32, #tpu.memory_space<vmem_shared>>
      %dma_start3A_92 = tpu.memref_squeeze %dma_start3A_91 : memref<1x1x64xf32, #tpu.memory_space<vmem_shared>> -> memref<1x64xf32, #tpu.memory_space<vmem_shared>>
      %dma_start3A_93 = arith.constant 0 : i32
      %dma_start3A_94 = tpu.memref_slice %arg3[%squeeze3A_85, %dma_start3A_93] : memref<1000000x64xf32, #tpu.memory_space<hbm>> -> memref<1x64xf32, #tpu.memory_space<hbm>>
      tpu.enqueue_dma source(%dma_start3A_94 : memref<1x64xf32, #tpu.memory_space<hbm>>) target(%dma_start3A_92 : memref<1x64xf32, #tpu.memory_space<vmem_shared>>) target_semaphore(%arg9 : memref<!tpu.dma_semaphore, #tpu.memory_space<semaphore_mem>>)
      %slice3A_95 = vector.extract_strided_slice %get3A_31 {offsets = [6], sizes = [1], strides = [1]} : vector<16xi32> to vector<1xi32>
      %squeeze3A_96 = vector.extract %slice3A_95[0] : i32 from vector<1xi32>
      %mul3A_97 = arith.constant 16 : i32
      %mul3A_98 = arith.muli %scan3A_25, %mul3A_97 : i32
      %add3A_99 = arith.constant 6 : i32
      %add3A_100 = arith.addi %mul3A_98, %add3A_99 : i32
      %dma_start3A_101 = arith.constant 0 : i32
      %dma_start3A_102 = tpu.memref_slice %arg7[%arg1, %add3A_100, %dma_start3A_101] : memref<16x256x64xf32, #tpu.memory_space<vmem_shared>> -> memref<1x1x64xf32, #tpu.memory_space<vmem_shared>>
      %dma_start3A_103 = tpu.memref_squeeze %dma_start3A_102 : memref<1x1x64xf32, #tpu.memory_space<vmem_shared>> -> memref<1x64xf32, #tpu.memory_space<vmem_shared>>
      %dma_start3A_104 = arith.constant 0 : i32
      %dma_start3A_105 = tpu.memref_slice %arg3[%squeeze3A_96, %dma_start3A_104] : memref<1000000x64xf32, #tpu.memory_space<hbm>> -> memref<1x64xf32, #tpu.memory_space<hbm>>
      tpu.enqueue_dma source(%dma_start3A_105 : memref<1x64xf32, #tpu.memory_space<hbm>>) target(%dma_start3A_103 : memref<1x64xf32, #tpu.memory_space<vmem_shared>>) target_semaphore(%arg9 : memref<!tpu.dma_semaphore, #tpu.memory_space<semaphore_mem>>)
      %slice3A_106 = vector.extract_strided_slice %get3A_31 {offsets = [7], sizes = [1], strides = [1]} : vector<16xi32> to vector<1xi32>
      %squeeze3A_107 = vector.extract %slice3A_106[0] : i32 from vector<1xi32>
      %mul3A_108 = arith.constant 16 : i32
      %mul3A_109 = arith.muli %scan3A_25, %mul3A_108 : i32
      %add3A_110 = arith.constant 7 : i32
      %add3A_111 = arith.addi %mul3A_109, %add3A_110 : i32
      %dma_start3A_112 = arith.constant 0 : i32
      %dma_start3A_113 = tpu.memref_slice %arg7[%arg1, %add3A_111, %dma_start3A_112] : memref<16x256x64xf32, #tpu.memory_space<vmem_shared>> -> memref<1x1x64xf32, #tpu.memory_space<vmem_shared>>
      %dma_start3A_114 = tpu.memref_squeeze %dma_start3A_113 : memref<1x1x64xf32, #tpu.memory_space<vmem_shared>> -> memref<1x64xf32, #tpu.memory_space<vmem_shared>>
      %dma_start3A_115 = arith.constant 0 : i32
      %dma_start3A_116 = tpu.memref_slice %arg3[%squeeze3A_107, %dma_start3A_115] : memref<1000000x64xf32, #tpu.memory_space<hbm>> -> memref<1x64xf32, #tpu.memory_space<hbm>>
      tpu.enqueue_dma source(%dma_start3A_116 : memref<1x64xf32, #tpu.memory_space<hbm>>) target(%dma_start3A_114 : memref<1x64xf32, #tpu.memory_space<vmem_shared>>) target_semaphore(%arg9 : memref<!tpu.dma_semaphore, #tpu.memory_space<semaphore_mem>>)
      %slice3A_117 = vector.extract_strided_slice %get3A_31 {offsets = [8], sizes = [1], strides = [1]} : vector<16xi32> to vector<1xi32>
      %squeeze3A_118 = vector.extract %slice3A_117[0] : i32 from vector<1xi32>
      %mul3A_119 = arith.constant 16 : i32
      %mul3A_120 = arith.muli %scan3A_25, %mul3A_119 : i32
      %add3A_121 = arith.constant 8 : i32
      %add3A_122 = arith.addi %mul3A_120, %add3A_121 : i32
      %dma_start3A_123 = arith.constant 0 : i32
      %dma_start3A_124 = tpu.memref_slice %arg7[%arg1, %add3A_122, %dma_start3A_123] : memref<16x256x64xf32, #tpu.memory_space<vmem_shared>> -> memref<1x1x64xf32, #tpu.memory_space<vmem_shared>>
      %dma_start3A_125 = tpu.memref_squeeze %dma_start3A_124 : memref<1x1x64xf32, #tpu.memory_space<vmem_shared>> -> memref<1x64xf32, #tpu.memory_space<vmem_shared>>
      %dma_start3A_126 = arith.constant 0 : i32
      %dma_start3A_127 = tpu.memref_slice %arg3[%squeeze3A_118, %dma_start3A_126] : memref<1000000x64xf32, #tpu.memory_space<hbm>> -> memref<1x64xf32, #tpu.memory_space<hbm>>
      tpu.enqueue_dma source(%dma_start3A_127 : memref<1x64xf32, #tpu.memory_space<hbm>>) target(%dma_start3A_125 : memref<1x64xf32, #tpu.memory_space<vmem_shared>>) target_semaphore(%arg9 : memref<!tpu.dma_semaphore, #tpu.memory_space<semaphore_mem>>)
      %slice3A_128 = vector.extract_strided_slice %get3A_31 {offsets = [9], sizes = [1], strides = [1]} : vector<16xi32> to vector<1xi32>
      %squeeze3A_129 = vector.extract %slice3A_128[0] : i32 from vector<1xi32>
      %mul3A_130 = arith.constant 16 : i32
      %mul3A_131 = arith.muli %scan3A_25, %mul3A_130 : i32
      %add3A_132 = arith.constant 9 : i32
      %add3A_133 = arith.addi %mul3A_131, %add3A_132 : i32
      %dma_start3A_134 = arith.constant 0 : i32
      %dma_start3A_135 = tpu.memref_slice %arg7[%arg1, %add3A_133, %dma_start3A_134] : memref<16x256x64xf32, #tpu.memory_space<vmem_shared>> -> memref<1x1x64xf32, #tpu.memory_space<vmem_shared>>
      %dma_start3A_136 = tpu.memref_squeeze %dma_start3A_135 : memref<1x1x64xf32, #tpu.memory_space<vmem_shared>> -> memref<1x64xf32, #tpu.memory_space<vmem_shared>>
      %dma_start3A_137 = arith.constant 0 : i32
      %dma_start3A_138 = tpu.memref_slice %arg3[%squeeze3A_129, %dma_start3A_137] : memref<1000000x64xf32, #tpu.memory_space<hbm>> -> memref<1x64xf32, #tpu.memory_space<hbm>>
      tpu.enqueue_dma source(%dma_start3A_138 : memref<1x64xf32, #tpu.memory_space<hbm>>) target(%dma_start3A_136 : memref<1x64xf32, #tpu.memory_space<vmem_shared>>) target_semaphore(%arg9 : memref<!tpu.dma_semaphore, #tpu.memory_space<semaphore_mem>>)
      %slice3A_139 = vector.extract_strided_slice %get3A_31 {offsets = [10], sizes = [1], strides = [1]} : vector<16xi32> to vector<1xi32>
      %squeeze3A_140 = vector.extract %slice3A_139[0] : i32 from vector<1xi32>
      %mul3A_141 = arith.constant 16 : i32
      %mul3A_142 = arith.muli %scan3A_25, %mul3A_141 : i32
      %add3A_143 = arith.constant 10 : i32
      %add3A_144 = arith.addi %mul3A_142, %add3A_143 : i32
      %dma_start3A_145 = arith.constant 0 : i32
      %dma_start3A_146 = tpu.memref_slice %arg7[%arg1, %add3A_144, %dma_start3A_145] : memref<16x256x64xf32, #tpu.memory_space<vmem_shared>> -> memref<1x1x64xf32, #tpu.memory_space<vmem_shared>>
      %dma_start3A_147 = tpu.memref_squeeze %dma_start3A_146 : memref<1x1x64xf32, #tpu.memory_space<vmem_shared>> -> memref<1x64xf32, #tpu.memory_space<vmem_shared>>
      %dma_start3A_148 = arith.constant 0 : i32
      %dma_start3A_149 = tpu.memref_slice %arg3[%squeeze3A_140, %dma_start3A_148] : memref<1000000x64xf32, #tpu.memory_space<hbm>> -> memref<1x64xf32, #tpu.memory_space<hbm>>
      tpu.enqueue_dma source(%dma_start3A_149 : memref<1x64xf32, #tpu.memory_space<hbm>>) target(%dma_start3A_147 : memref<1x64xf32, #tpu.memory_space<vmem_shared>>) target_semaphore(%arg9 : memref<!tpu.dma_semaphore, #tpu.memory_space<semaphore_mem>>)
      %slice3A_150 = vector.extract_strided_slice %get3A_31 {offsets = [11], sizes = [1], strides = [1]} : vector<16xi32> to vector<1xi32>
      %squeeze3A_151 = vector.extract %slice3A_150[0] : i32 from vector<1xi32>
      %mul3A_152 = arith.constant 16 : i32
      %mul3A_153 = arith.muli %scan3A_25, %mul3A_152 : i32
      %add3A_154 = arith.constant 11 : i32
      %add3A_155 = arith.addi %mul3A_153, %add3A_154 : i32
      %dma_start3A_156 = arith.constant 0 : i32
      %dma_start3A_157 = tpu.memref_slice %arg7[%arg1, %add3A_155, %dma_start3A_156] : memref<16x256x64xf32, #tpu.memory_space<vmem_shared>> -> memref<1x1x64xf32, #tpu.memory_space<vmem_shared>>
      %dma_start3A_158 = tpu.memref_squeeze %dma_start3A_157 : memref<1x1x64xf32, #tpu.memory_space<vmem_shared>> -> memref<1x64xf32, #tpu.memory_space<vmem_shared>>
      %dma_start3A_159 = arith.constant 0 : i32
      %dma_start3A_160 = tpu.memref_slice %arg3[%squeeze3A_151, %dma_start3A_159] : memref<1000000x64xf32, #tpu.memory_space<hbm>> -> memref<1x64xf32, #tpu.memory_space<hbm>>
      tpu.enqueue_dma source(%dma_start3A_160 : memref<1x64xf32, #tpu.memory_space<hbm>>) target(%dma_start3A_158 : memref<1x64xf32, #tpu.memory_space<vmem_shared>>) target_semaphore(%arg9 : memref<!tpu.dma_semaphore, #tpu.memory_space<semaphore_mem>>)
      %slice3A_161 = vector.extract_strided_slice %get3A_31 {offsets = [12], sizes = [1], strides = [1]} : vector<16xi32> to vector<1xi32>
      %squeeze3A_162 = vector.extract %slice3A_161[0] : i32 from vector<1xi32>
      %mul3A_163 = arith.constant 16 : i32
      %mul3A_164 = arith.muli %scan3A_25, %mul3A_163 : i32
      %add3A_165 = arith.constant 12 : i32
      %add3A_166 = arith.addi %mul3A_164, %add3A_165 : i32
      %dma_start3A_167 = arith.constant 0 : i32
      %dma_start3A_168 = tpu.memref_slice %arg7[%arg1, %add3A_166, %dma_start3A_167] : memref<16x256x64xf32, #tpu.memory_space<vmem_shared>> -> memref<1x1x64xf32, #tpu.memory_space<vmem_shared>>
      %dma_start3A_169 = tpu.memref_squeeze %dma_start3A_168 : memref<1x1x64xf32, #tpu.memory_space<vmem_shared>> -> memref<1x64xf32, #tpu.memory_space<vmem_shared>>
      %dma_start3A_170 = arith.constant 0 : i32
      %dma_start3A_171 = tpu.memref_slice %arg3[%squeeze3A_162, %dma_start3A_170] : memref<1000000x64xf32, #tpu.memory_space<hbm>> -> memref<1x64xf32, #tpu.memory_space<hbm>>
      tpu.enqueue_dma source(%dma_start3A_171 : memref<1x64xf32, #tpu.memory_space<hbm>>) target(%dma_start3A_169 : memref<1x64xf32, #tpu.memory_space<vmem_shared>>) target_semaphore(%arg9 : memref<!tpu.dma_semaphore, #tpu.memory_space<semaphore_mem>>)
      %slice3A_172 = vector.extract_strided_slice %get3A_31 {offsets = [13], sizes = [1], strides = [1]} : vector<16xi32> to vector<1xi32>
      %squeeze3A_173 = vector.extract %slice3A_172[0] : i32 from vector<1xi32>
      %mul3A_174 = arith.constant 16 : i32
      %mul3A_175 = arith.muli %scan3A_25, %mul3A_174 : i32
      %add3A_176 = arith.constant 13 : i32
      %add3A_177 = arith.addi %mul3A_175, %add3A_176 : i32
      %dma_start3A_178 = arith.constant 0 : i32
      %dma_start3A_179 = tpu.memref_slice %arg7[%arg1, %add3A_177, %dma_start3A_178] : memref<16x256x64xf32, #tpu.memory_space<vmem_shared>> -> memref<1x1x64xf32, #tpu.memory_space<vmem_shared>>
      %dma_start3A_180 = tpu.memref_squeeze %dma_start3A_179 : memref<1x1x64xf32, #tpu.memory_space<vmem_shared>> -> memref<1x64xf32, #tpu.memory_space<vmem_shared>>
      %dma_start3A_181 = arith.constant 0 : i32
      %dma_start3A_182 = tpu.memref_slice %arg3[%squeeze3A_173, %dma_start3A_181] : memref<1000000x64xf32, #tpu.memory_space<hbm>> -> memref<1x64xf32, #tpu.memory_space<hbm>>
      tpu.enqueue_dma source(%dma_start3A_182 : memref<1x64xf32, #tpu.memory_space<hbm>>) target(%dma_start3A_180 : memref<1x64xf32, #tpu.memory_space<vmem_shared>>) target_semaphore(%arg9 : memref<!tpu.dma_semaphore, #tpu.memory_space<semaphore_mem>>)
      %slice3A_183 = vector.extract_strided_slice %get3A_31 {offsets = [14], sizes = [1], strides = [1]} : vector<16xi32> to vector<1xi32>
      %squeeze3A_184 = vector.extract %slice3A_183[0] : i32 from vector<1xi32>
      %mul3A_185 = arith.constant 16 : i32
      %mul3A_186 = arith.muli %scan3A_25, %mul3A_185 : i32
      %add3A_187 = arith.constant 14 : i32
      %add3A_188 = arith.addi %mul3A_186, %add3A_187 : i32
      %dma_start3A_189 = arith.constant 0 : i32
      %dma_start3A_190 = tpu.memref_slice %arg7[%arg1, %add3A_188, %dma_start3A_189] : memref<16x256x64xf32, #tpu.memory_space<vmem_shared>> -> memref<1x1x64xf32, #tpu.memory_space<vmem_shared>>
      %dma_start3A_191 = tpu.memref_squeeze %dma_start3A_190 : memref<1x1x64xf32, #tpu.memory_space<vmem_shared>> -> memref<1x64xf32, #tpu.memory_space<vmem_shared>>
      %dma_start3A_192 = arith.constant 0 : i32
      %dma_start3A_193 = tpu.memref_slice %arg3[%squeeze3A_184, %dma_start3A_192] : memref<1000000x64xf32, #tpu.memory_space<hbm>> -> memref<1x64xf32, #tpu.memory_space<hbm>>
      tpu.enqueue_dma source(%dma_start3A_193 : memref<1x64xf32, #tpu.memory_space<hbm>>) target(%dma_start3A_191 : memref<1x64xf32, #tpu.memory_space<vmem_shared>>) target_semaphore(%arg9 : memref<!tpu.dma_semaphore, #tpu.memory_space<semaphore_mem>>)
      %slice3A_194 = vector.extract_strided_slice %get3A_31 {offsets = [15], sizes = [1], strides = [1]} : vector<16xi32> to vector<1xi32>
      %squeeze3A_195 = vector.extract %slice3A_194[0] : i32 from vector<1xi32>
      %mul3A_196 = arith.constant 16 : i32
      %mul3A_197 = arith.muli %scan3A_25, %mul3A_196 : i32
      %add3A_198 = arith.constant 15 : i32
      %add3A_199 = arith.addi %mul3A_197, %add3A_198 : i32
      %dma_start3A_200 = arith.constant 0 : i32
      %dma_start3A_201 = tpu.memref_slice %arg7[%arg1, %add3A_199, %dma_start3A_200] : memref<16x256x64xf32, #tpu.memory_space<vmem_shared>> -> memref<1x1x64xf32, #tpu.memory_space<vmem_shared>>
      %dma_start3A_202 = tpu.memref_squeeze %dma_start3A_201 : memref<1x1x64xf32, #tpu.memory_space<vmem_shared>> -> memref<1x64xf32, #tpu.memory_space<vmem_shared>>
      %dma_start3A_203 = arith.constant 0 : i32
      %dma_start3A_204 = tpu.memref_slice %arg3[%squeeze3A_195, %dma_start3A_203] : memref<1000000x64xf32, #tpu.memory_space<hbm>> -> memref<1x64xf32, #tpu.memory_space<hbm>>
      tpu.enqueue_dma source(%dma_start3A_204 : memref<1x64xf32, #tpu.memory_space<hbm>>) target(%dma_start3A_202 : memref<1x64xf32, #tpu.memory_space<vmem_shared>>) target_semaphore(%arg9 : memref<!tpu.dma_semaphore, #tpu.memory_space<semaphore_mem>>)
    }
    %scan3A_13 = arith.constant 16 : i32
    %dma_wait3A = arith.constant 0 : i32
    %dma_wait3A_14 = tpu.memref_slice %arg4[%mul3A_2, %dma_wait3A] : memref<16384x64xf32, #tpu.memory_space<hbm>> -> memref<256x64xf32, #tpu.memory_space<hbm>>
    %dma_wait3A_15 = arith.constant 0 : i32
    %dma_wait3A_16 = tpu.memref_slice %arg4[%mul3A_2, %dma_wait3A_15] : memref<16384x64xf32, #tpu.memory_space<hbm>> -> memref<256x64xf32, #tpu.memory_space<hbm>>
    tpu.wait_dma2 semaphore(%arg8 : memref<!tpu.dma_semaphore, #tpu.memory_space<semaphore_mem>>) src(%dma_wait3A_16 : memref<256x64xf32, #tpu.memory_space<hbm>>) dst(%arg6 : memref<256x64xf32, #tpu.memory_space<vmem>>)
    "tpu.region"() ({
      %run_scoped3A = tpu.sem_alloc : memref<!tpu.dma_semaphore, #tpu.memory_space<semaphore_mem>>
      %dma_start3A = arith.constant 0 : i32
      %dma_start3A_25 = tpu.memref_slice %arg4[%mul3A_2, %dma_start3A] : memref<16384x64xf32, #tpu.memory_space<hbm>> -> memref<256x64xf32, #tpu.memory_space<hbm>>
      %dma_start3A_26 = arith.constant 0 : i32
      %dma_start3A_27 = tpu.memref_slice %arg4[%mul3A_2, %dma_start3A_26] : memref<16384x64xf32, #tpu.memory_space<hbm>> -> memref<256x64xf32, #tpu.memory_space<hbm>>
      tpu.enqueue_dma source(%arg6 : memref<256x64xf32, #tpu.memory_space<vmem>>) target(%dma_start3A_27 : memref<256x64xf32, #tpu.memory_space<hbm>>) target_semaphore(%run_scoped3A : memref<!tpu.dma_semaphore, #tpu.memory_space<semaphore_mem>>)
      %dma_wait3A_28 = arith.constant 0 : i32
      %dma_wait3A_29 = tpu.memref_slice %arg4[%mul3A_2, %dma_wait3A_28] : memref<16384x64xf32, #tpu.memory_space<hbm>> -> memref<256x64xf32, #tpu.memory_space<hbm>>
      %dma_wait3A_30 = arith.constant 0 : i32
      %dma_wait3A_31 = tpu.memref_slice %arg4[%mul3A_2, %dma_wait3A_30] : memref<16384x64xf32, #tpu.memory_space<hbm>> -> memref<256x64xf32, #tpu.memory_space<hbm>>
      tpu.wait_dma2 semaphore(%run_scoped3A : memref<!tpu.dma_semaphore, #tpu.memory_space<semaphore_mem>>) src(%arg6 : memref<256x64xf32, #tpu.memory_space<vmem>>) dst(%dma_wait3A_31 : memref<256x64xf32, #tpu.memory_space<hbm>>)
      tpu.yield
    }) : () -> ()
    %dma_wait3A_17 = arith.constant 0 : i32
    %dma_wait3A_18 = arith.constant 0 : i32
    %dma_wait3A_19 = tpu.memref_slice %arg7[%arg1, %dma_wait3A_17, %dma_wait3A_18] : memref<16x256x64xf32, #tpu.memory_space<vmem_shared>> -> memref<1x256x64xf32, #tpu.memory_space<vmem_shared>>
    %dma_wait3A_20 = tpu.memref_squeeze %dma_wait3A_19 : memref<1x256x64xf32, #tpu.memory_space<vmem_shared>> -> memref<256x64xf32, #tpu.memory_space<vmem_shared>>
    %dma_wait3A_21 = arith.constant 0 : i32
    %dma_wait3A_22 = tpu.memref_slice %arg4[%mul3A_2, %dma_wait3A_21] : memref<16384x64xf32, #tpu.memory_space<hbm>> -> memref<256x64xf32, #tpu.memory_space<hbm>>
    tpu.wait_dma2 semaphore(%arg9 : memref<!tpu.dma_semaphore, #tpu.memory_space<semaphore_mem>>) src(%dma_wait3A_22 : memref<256x64xf32, #tpu.memory_space<hbm>>) dst(%dma_wait3A_20 : memref<256x64xf32, #tpu.memory_space<vmem_shared>>)
    %add3A_23 = arith.constant 256 : i32
    %add3A_24 = arith.addi %mul3A_2, %add3A_23 : i32
    "tpu.region"() ({
      %run_scoped3A = tpu.sem_alloc : memref<!tpu.dma_semaphore, #tpu.memory_space<semaphore_mem>>
      %dma_start3A = arith.constant 0 : i32
      %dma_start3A_25 = tpu.memref_slice %arg4[%add3A_24, %dma_start3A] : memref<16384x64xf32, #tpu.memory_space<hbm>> -> memref<256x64xf32, #tpu.memory_space<hbm>>
      %dma_start3A_26 = arith.constant 0 : i32
      %dma_start3A_27 = arith.constant 0 : i32
      %dma_start3A_28 = tpu.memref_slice %arg7[%arg1, %dma_start3A_26, %dma_start3A_27] : memref<16x256x64xf32, #tpu.memory_space<vmem_shared>> -> memref<1x256x64xf32, #tpu.memory_space<vmem_shared>>
      %dma_start3A_29 = tpu.memref_squeeze %dma_start3A_28 : memref<1x256x64xf32, #tpu.memory_space<vmem_shared>> -> memref<256x64xf32, #tpu.memory_space<vmem_shared>>
      tpu.enqueue_dma source(%dma_start3A_29 : memref<256x64xf32, #tpu.memory_space<vmem_shared>>) target(%dma_start3A_25 : memref<256x64xf32, #tpu.memory_space<hbm>>) target_semaphore(%run_scoped3A : memref<!tpu.dma_semaphore, #tpu.memory_space<semaphore_mem>>)
      %dma_wait3A_30 = arith.constant 0 : i32
      %dma_wait3A_31 = tpu.memref_slice %arg4[%add3A_24, %dma_wait3A_30] : memref<16384x64xf32, #tpu.memory_space<hbm>> -> memref<256x64xf32, #tpu.memory_space<hbm>>
      %dma_wait3A_32 = arith.constant 0 : i32
      %dma_wait3A_33 = arith.constant 0 : i32
      %dma_wait3A_34 = tpu.memref_slice %arg7[%arg1, %dma_wait3A_32, %dma_wait3A_33] : memref<16x256x64xf32, #tpu.memory_space<vmem_shared>> -> memref<1x256x64xf32, #tpu.memory_space<vmem_shared>>
      %dma_wait3A_35 = tpu.memref_squeeze %dma_wait3A_34 : memref<1x256x64xf32, #tpu.memory_space<vmem_shared>> -> memref<256x64xf32, #tpu.memory_space<vmem_shared>>
      tpu.wait_dma2 semaphore(%run_scoped3A : memref<!tpu.dma_semaphore, #tpu.memory_space<semaphore_mem>>) src(%dma_wait3A_35 : memref<256x64xf32, #tpu.memory_space<vmem_shared>>) dst(%dma_wait3A_31 : memref<256x64xf32, #tpu.memory_space<hbm>>)
      tpu.yield
    }) : () -> ()
    return
  }
}

</mosaic_0001>

<sc_bundles>
// kernel: kernel.3.cloned.1.call-start
scs
__scs_entry_jumppad:
0x0: {  	(pc) =	sbr.rel $0x88, $3  }
0x1: {  	(tag) =	ssettag $0x0;
	lr =	simm.s32 $0x1  }
0x2: {  	[smem:$0x3F9F] =	sst lr;
	_ =	strace $0xD0000000  }
0x3: {  	_ = 	snop  }
0x4: {  	_ = 	snop  }
0x5: {  	_ = 	snop  }
0x6: {  	_ = 	snop  }
0x7: {  	_ = 	snop  }
__scs_overlays_trampoline_lowered:
0x8: {  	[smem:$0x3FAE] =	sst s0  }
0x9: {  	[smem:$0x3FAF] =	sst s1  }
0xa: {  	[smem:$0x3FB0] =	sst s2  }
0xb: {  	[smem:$0x3FB1] =	sst s3  }
0xc: {  	[smem:$0x3FB2] =	sst s4  }
0xd: {  	[smem:$0x3FB3] =	sst s5  }
0xe: {  	[smem:$0x3FB4] =	sst s6  }
0xf: {  	[smem:$0x3FB5] =	sst s7  }
0x10: {  	[smem:$0x3FB6] =	sst s8  }
0x11: {  	[smem:$0x3FB7] =	sst s9;
	s0 =	simm.s32 @!p0 $0x0  }
0x12: {  	s1 =	sld [smem:$0x3F9D];
	s0 =	simm.s32 @p0 $0x1  }
0x13: {  	[smem:$0x3FB8] =	sst s0;
	s0 =	simm.s32 @!p1 $0x0  }
0x14: {  	s2 =	sld [smem:$0x3F9C];
	s0 =	simm.s32 @p1 $0x1  }
0x15: {  	[smem:$0x3FB9] =	sst s0;
	s0 =	simm.s32 @!p2 $0x0  }
0x16: {  	s3 =	sld [smem:$0x3FDB];
	s0 =	simm.s32 @p2 $0x1  }
0x17: {  	s4 =	simm.s32 $0x1BF5;
	[smem:$0x3FBB] =	sst s0  }
0x18: {  	s0 =	sld [smem:$0x3F9E];
	_ =	swait.ge [sflag:s4], $0x0  }
0x19: {  	s7 =	sld [smem:$0x3F9F]  }
0x1a: {  	s8 =	sadd.s32 $0xFFFFE003, lr  }
0x1b: {  	s9 =	sadd.s32 $0xFFFFFEF7, lr;
	s5 =	simm.s32 $0xFFFFFFFF;
	p2 =	slt.u32 s8, $0xFFFFF086  }
0x1c: {  	p1 =	slt.u32 s9, $0xF7A;
	s5 =	simm.s32 @!p2 $0x0  }
0x1d: {  	s5 =	simm.s32 @p1 $0x1;
	p0 =	seq.s32 s7, s2  }
0x1e: {  	s7 =	smul.u32 @!p0 $0xF7A, s2;
	p2 =	seq.s32 @!p0 s5, $0x0  }
0x1f: {  	s9 =	smul.u32 $0xF7A, s1;
	s8 =	simm.s32 @!p0 $0x1BF5;
	p2 =	por !p2, p0  }
0x20: {  	[sflag:s8] =	ssyncset.s32 @!p0 $0xFFFFF086;
	s6 =	sadd.s32 @!p0 s3, s7;
	s7 =	simm.s32 @!p0 $0x108  }
0x21: {  	s3 =	sadd.s32 s3, s9;
	s6 =	sadd.s32 @!p0 $0x88, s6;
	s7 =	simm.s32 @p2 $0x1082  }
0x22: {  	[simem:s7], [sflag:s8] =	dma.local @!p0 [hbm:s6], $0xF7A  }
0x23: {  	s9 =	sor.u32 $0xD0000000, s2;
	s6 =	simm.s32 $0x108;
	_ =	swait.ge @!p0 [sflag:s8], $0x0  }
0x24: {  	s3 =	sadd.s32 $0x88, s3;
	s6 =	simm.s32 @!p1 $0x1082;
	[sflag:s4] =	ssyncset.s32 $0xFFFFF086  }
0x25: {  	[simem:s6], [sflag:s4] =	dma.local [hbm:s3], $0xF7A  }
0x26: {  	[smem:$0x3F9F] =	sst s1;
	(tag) =	ssettag s2;
	_ =	strace s9  }
0x27: {  	s1 =	sld [smem:$0x3FAF]  }
0x28: {  	s2 =	sld [smem:$0x3FB0]  }
0x29: {  	s4 =	sld [smem:$0x3FB2]  }
0x2a: {  	p0 =	seq.s32 s5, $0x0;
	s5 =	sld [smem:$0x3FB3]  }
0x2b: {  	s6 =	sld [smem:$0x3FB4]  }
0x2c: {  	s7 =	sld [smem:$0x3FB5]  }
0x2d: {  	s3 =	simm.s32 $0x108;
	s8 =	sld [smem:$0x3FB6]  }
0x2e: {  	s3 =	simm.s32 @!p0 $0x1082;
	s9 =	sld [smem:$0x3FB7]  }
0x2f: {  	lr =	sadd.s32 s0, s3;
	s0 =	sld [smem:$0x3FAE]  }
0x30: {  	s3 =	sld [smem:$0x3FB1]  }
0x31: {  	[smem:$0x3FBA] =	sst s10  }
0x32: {  	s10 =	sld [smem:$0x3FB8];
	_ =	sdelay $0x3  }
0x33: {  	p0 =	seq.s32 s10, $0x1;
	s10 =	sld [smem:$0x3FBA];
	_ =	sdelay $0x3  }
0x34: {  	[smem:$0x3FBA] =	sst s10  }
0x35: {  	s10 =	sld [smem:$0x3FB9];
	_ =	sdelay $0x3  }
0x36: {  	p1 =	seq.s32 s10, $0x1;
	s10 =	sld [smem:$0x3FBA];
	_ =	sdelay $0x3  }
0x37: {  	[smem:$0x3FBA] =	sst s10  }
0x38: {  	s10 =	sld [smem:$0x3FBB]  }
0x39: {  	_ = 	snop;
	(pc) =	sbr.ind lr, $3  }
0x3a: {  	_ = 	snop  }
0x3b: {  	_ = 	snop  }
0x3c: {  	p2 =	seq.s32 s10, $0x1;
	s10 =	sld [smem:$0x3FBA]  }
0x3d: {  	_ =	shalt  }
0x3e: {  	_ =	shalt  }
0x3f: {  	_ =	shalt  }
0x40: {  	_ =	shalt  }
0x41: {  	_ =	shalt  }
0x42: {  	_ =	shalt  }
0x43: {  	_ =	shalt  }
0x44: {  	_ =	shalt  }
0x45: {  	_ =	shalt  }
0x46: {  	_ =	shalt  }
0x47: {  	_ =	shalt  }
0x48: {  	_ =	shalt  }
0x49: {  	_ =	shalt  }
0x4a: {  	_ =	shalt  }
0x4b: {  	_ =	shalt  }
0x4c: {  	_ =	shalt  }
0x4d: {  	_ =	shalt  }
0x4e: {  	_ =	shalt  }
0x4f: {  	_ =	shalt  }
0x50: {  	_ =	shalt  }
0x51: {  	_ =	shalt  }
0x52: {  	_ =	shalt  }
0x53: {  	_ =	shalt  }
0x54: {  	_ =	shalt  }
0x55: {  	_ =	shalt  }
0x56: {  	_ =	shalt  }
0x57: {  	_ =	shalt  }
0x58: {  	_ =	shalt  }
0x59: {  	_ =	shalt  }
0x5a: {  	_ =	shalt  }
0x5b: {  	_ =	shalt  }
0x5c: {  	_ =	shalt  }
0x5d: {  	_ =	shalt  }
0x5e: {  	_ =	shalt  }
0x5f: {  	_ =	shalt  }
0x60: {  	_ =	shalt  }
0x61: {  	_ =	shalt  }
0x62: {  	_ =	shalt  }
0x63: {  	_ =	shalt  }
0x64: {  	_ =	shalt  }
0x65: {  	_ =	shalt  }
0x66: {  	_ =	shalt  }
0x67: {  	_ =	shalt  }
0x68: {  	_ =	shalt  }
0x69: {  	_ =	shalt  }
0x6a: {  	_ =	shalt  }
0x6b: {  	_ =	shalt  }
0x6c: {  	_ =	shalt  }
0x6d: {  	_ =	shalt  }
0x6e: {  	_ =	shalt  }
0x6f: {  	_ =	shalt  }
0x70: {  	_ =	shalt  }
0x71: {  	_ =	shalt  }
0x72: {  	_ =	shalt  }
0x73: {  	_ =	shalt  }
0x74: {  	_ =	shalt  }
0x75: {  	_ =	shalt  }
0x76: {  	_ =	shalt  }
0x77: {  	_ =	shalt  }
0x78: {  	_ =	shalt  }
0x79: {  	_ =	shalt  }
0x7a: {  	_ =	shalt  }
0x7b: {  	_ =	shalt  }
0x7c: {  	_ =	shalt  }
0x7d: {  	_ =	shalt  }
0x7e: {  	_ =	shalt  }
0x7f: {  	_ =	shalt  }
0x80: {  	_ =	shalt  }
0x81: {  	_ =	shalt  }
0x82: {  	_ =	shalt  }
0x83: {  	_ =	shalt  }
0x84: {  	_ =	shalt  }
0x85: {  	_ =	shalt  }
0x86: {  	_ =	shalt  }
0x87: {  	_ =	shalt  }
.Lfunc_end0:
.L_simem_size_0:
called_computation_lowered:
.L_overlay_start_0:
0x88: {  	s2 =	sld [smem:$0x3FD9]  }
0x89: {  	s3 =	sld [smem:$0x3FFE];
	_ =	sdelay $0x1  }
0x8a: {  	s1 =	srdreg.scid  }
0x8b: {  	s0 =	sand.u32 $0x1, s1  }
0x8c: {  	s17 =	sshll.u32 s0, $0xA;
	s2 =	sadd.s32 s3, s2  }
0x8d: {  	s2 =	sadd.s32 s2, s17  }
0x8e: {  	[smem:$0x3FC6] =	sst s2  }
0x8f: {  	_ = 	snop  }
0x90: {  	s2 =	sld [smem:$0x3FC9];
	(tm) =	ssettm $0x1  }
0x91: {  	s18 =	sld [smem:$0x3FFB];
	_ =	sdelay $0x3  }
0x92: {  	_ =	strace s18  }
0x93: {  	s3 =	sld [smem:$0x3FFC];
	_ =	sdelay $0x3  }
0x94: {  	_ =	strace s3  }
0x95: {  	s3 =	sld [smem:$0x3FFD];
	_ =	sdelay $0x3  }
0x96: {  	_ =	strace s3  }
0x97: {  	_ =	strace $0x8FFFFFFF  }
0x98: {  	s19 =	sld [smem:$0x3FDB];
	_ =	sdelay $0x1  }
0x99: {  	s4 =	simm.s32 $_scs_section_size  }
0x9a: {  	s5 =	simm.s32 $_size__tile_overlayer_lowered;
	s6 =	simm.s32 $_tile_overlayer_lowered  }
0x9b: {  	s22 =	simm.s32 $0x1BFF;
	s21 =	sshll.u32 s6, $0x1;
	s3 =	sadd.s32 s4, s19  }
0x9c: {  	s7 =	simm.s32 $0x0;
	s20 =	sshll.u32 s5, $0x1;
	s5 =	sadd.s32 s21, s3  }
0x9d: {  	[timem:s7], [sflag:s22] =	dma.local [hbm:s5], s20  }
0x9e: {  	_ =	swait.ge [sflag:s22], s20  }
0x9f: {  	s4 =	ssub.s32 $0x0, s20;
	[sflag:s22] =	ssyncset.done $0x0  }
0xa0: {  	[sflag:s22] =	ssyncadd.s32 s4;
	_ =	sdelay $0x1  }
0xa1: {  	s23 =	simm.s32 $0x1B8B  }
0xa2: {  	_ =	swait.ge [sflag:s23], $0x1  }
0xa3: {  	[sflag:s23] =	ssyncset.done $0x0  }
0xa4: {  	s25 =	simm.s32 $0x1B8E;
	s24 =	sld [smem:$0x3FFE];
	[sflag:s23] =	ssyncadd.s32 $0xFFFFFFFF  }
0xa5: {  	s26 =	simm.s32 $execute0_lowered;
	[smem:$0x3FD2] =	sst s25  }
0xa6: {  	s5 =	sshll.u32 s26, $0x1;
	_ =	strace $0x80000046;
	[dreg:$0x1] =	wrdreg $0xFFFFFFFF  }
0xa7: {  	s28 =	simm.s32 $_size_execute0_lowered;
	s3 =	sadd.s32 s3, s5;
	[dreg:$0x0] =	wrdreg $0x0  }
0xa8: {  	s5 =	sshll.u32 s28, $0x1;
	[dreg:$0x2] =	wrdreg s3  }
0xa9: {  	[dreg:$0x3] =	wrdreg s5  }
0xaa: {  	[dreg:$0x4] =	wrdreg $0xC0  }
0xab: {  	_ =	task [dreg:s7], $0x5FFFF  }
0xac: {  	[dreg:$0x1] =	wrdreg $0xFFFFFFFF  }
0xad: {  	[dreg:$0x0] =	wrdreg $0x60  }
0xae: {  	[dreg:$0x2] =	wrdreg s2  }
0xaf: {  	[dreg:$0x3] =	wrdreg s24  }
0xb0: {  	[dreg:$0x4] =	wrdreg $0x82000  }
0xb1: {  	[dreg:$0x5] =	wrdreg $0x9  }
0xb2: {  	_ =	task.clear_ibuf [dreg:s7], $0x6FFFF;
	_ =	strace $0x90000046  }
0xb3: {  	s29 =	simm.s32 $0x9;
	_ =	strace $0x80000048  }
0xb4: {  	_ =	swait.ge [sflag:s29], $0x1  }
0xb5: {  	[sflag:s29] =	ssyncadd.s32 $0xFFFFFFFF  }
0xb6: {  	_ =	strace $0x90000048  }
0xb7: {  	_ =	sfence  }
0xb8: {  	s30 =	sld [smem:$0x0];
	_ =	sdelay $0x2  }
0xb9: {  	s31 =	sshll.u32 s1, $0xD;
	s1 =	sshrl.u32 s1, $0x2  }
0xba: {  	s3 =	sand.u32 $0x4000, s31;
	s1 =	sadd.s32 s1, s30  }
0xbb: {  	s0 =	sor.u32 s3, s0;
	s1 =	sshll.u32 s1, $0x11  }
0xbc: {  	s0 =	sor.u32 s1, s0  }
0xbd: {  	s0 =	sadd.s32 $0x8F2B, s0  }
0xbe: {  	[sflag:s0] =	ssyncadd.remote.s32 $0x1  }
0xbf: {  	_ =	sfence.sel $0xFFFF  }
0xc0: {  	[dreg:$0x0] =	wrdreg $0xFFFFFFFF;
	(pc) =	sbr.abs _section_cstart, $3  }
0xc1: {  	[dreg:$0x1] =	wrdreg $0xFFFFFFFF  }
0xc2: {  	_ =	task.clear_ibuf [dreg:s7], $0x2FFFF;
	_ =	strace $0x9FFFFFFF  }
0xc3: {  	(tm) =	ssettm $0x7FFFFFFF  }
tec
execute0_lowered:
.L_overlay_start_1:
0x0: {  	(tag) =	ssettag $0x1  }
0x1: {  	s0 =	rddreg [dreg:$0x0]  }
0x2: {  	s1 =	rddreg [dreg:$0x1]  }
0x3: {  	s4 =	rddreg [dreg:$0x2];
	s2 =	srdreg.scid  }
0x4: {  	s8 =	stileid.u32;
	s3 =	sand.u32 $0x1, s2;
	s2 =	simm.s32 $0x0  }
0x5: {  	s5 =	sshll.u32 s8, $0xA;
	s26 =	sshll.u32 s8, $0xF;
	s31 =	sshll.u32 s8, $0x6  }
0x6: {  	s6 =	sshll.u32 s3, $0x9;
	[smem:$0x7FF] =	sst s2;
	s7 =	ssub.s32 $0x2, s3  }
0x7: {  	s3 =	sadd.s32 $0x400, s1;
	s23 =	sadd.s32 s26, s4;
	s5 =	sor.u32 s6, s5  }
0x8: {  	_ =	strace $0x80000047;
	s6 =	sshll.u32 s5, $0x4;
	s5 =	sshrl.u32 s5, $0x3  }
0x9: {  	[dreg:$0x10] =	wrdreg s31;
	s1 =	sadd.s32 s6, s1;
	s0 =	sadd.s32 s0, s5  }
0xa: {  	s25 =	sshrl.u32 s7, $0x1;
	[dreg:$0xc] =	wrdreg s0;
	s28 =	sadd.s32 $0xF42800, s1  }
0xb: {  	s6 =	ssub.s32 s7, s25;
	s29 =	sadd.s32 $0xF43800, s1;
	[dreg:$0xd] =	wrdreg s28  }
0xc: {  	s21 =	sor.u32 $0x1C02, s31;
	s30 =	smax.u32 s6, $0x1;
	[dreg:$0xe] =	wrdreg s29  }
0xd: {  	s5 =	simm.s32 $0x3;
	s1 =	simm.s32 $0x0;
	[dreg:$0xf] =	wrdreg s30  }
.LBB2_1:
0xe: {  	[dreg:$0x11] =	wrdreg s1  }
0xf: {  	s0 =	rddreg [dreg:$0xc]  }
0x10: {  	[tilespmem:s2], [sflag:$0x3] =	stream.linear.gather [hbm4b:s0+s2], $0x200, $0x38;
	[tilespmem:$0xC200] =	vst v63  }
0x11: {  	_ =	swait.ge [sflag:s5], $0x200  }
0x12: {  	[sflag:s5] =	ssyncset.done $0x0  }
0x13: {  	[sflag:s5] =	ssyncadd.s32 $0xFFFFFE00  }
0x14: {  	v0 =	vld [tilespmem:s2+$0x0];
	_ =	sdelay $0x4  }
0x15: {  	v0 =	vshll.u32 v0, $0x4  }
0x16: {  	(v2sf) =	vpush v0, $0x0  }
0x17: {  	(v2sf) =	vpush v0, $0x1  }
0x18: {  	(v2sf) =	vpush v0, $0x2;
	_ =	sdelay $0x1  }
0x19: {  	(v2sf) =	vpush v0, $0x4;
	_ =	sdelay $0x1  }
0x1a: {  	(v2sf) =	vpush v0, $0x3  }
0x1b: {  	(v2sf) =	vpush v0, $0x5  }
0x1c: {  	s18 =	simm.s32 $0x2000;
	s17 =	simm.s32 $0x0;
	s19 =	simm.s32 $0x0;
	(v2sf) =	vpush v0, $0x6  }
.LBB2_2:
0x1d: {  	p0 =	sne.s32 s18, $0x1E000  }
0x1e: {  	s7 =	sadd.s32 $0x280, s17;
	s2 =	sadd.s32 $0x780, s17;
	s20 =	smov.u32 s18  }
0x1f: {  	s18 =	sadd.s32 $0x2000, s18;
	s5 =	sadd.s32 $0x580, s17;
	s11 =	sadd.s32 $0x800, s17;
	(v2sf) =	vpush v0, $0x7  }
0x20: {  	s6 =	sadd.s32 $0x480, s17;
	s0 =	sadd.s32 $0x600, s17;
	s22 =	sadd.s32 $0x880, s17  }
0x21: {  	s8 =	sadd.s32 $0x200, s17;
	s9 =	sadd.s32 $0x400, s17;
	(v2sf) =	vpush v0, $0x8  }
0x22: {  	s16 =	simm.s32 $0x0;
	s10 =	sadd.s32 $0x500, s17;
	s19 =	sadd.s32 $0x10, s19  }
0x23: {  	s25 =	sadd.s32 $0x300, s17;
	s1 =	sadd.s32 $0x700, s17;
	s4 =	spop (v2sf);
	(v2sf) =	vpush v0, $0x9  }
0x24: {  	s26 =	sand.u32 $0x1FFFFFF0, s4;
	s4 =	sadd.s32 $0x680, s17;
	s28 =	spop (v2sf)  }
0x25: {  	s26 =	sadd.s32 s3, s26;
	s28 =	sand.u32 $0x1FFFFFF0, s28;
	s29 =	spop (v2sf);
	(v2sf) =	vpush v0, $0xA  }
0x26: {  	[tilespmem:s8], [sflag:$0x1] =	stream.linear.gather [hbm4b:s26+s16], $0x80, $0x38;
	[tilespmem:$0xC200] =	vst v63  }
0x27: {  	s8 =	sadd.s32 s3, s28;
	s26 =	sadd.s32 $0x380, s17;
	s28 =	spop (v2sf);
	(v2sf) =	vpush v0, $0xB  }
0x28: {  	[tilespmem:s7], [sflag:$0x1] =	stream.linear.gather [hbm4b:s8+s16], $0x80, $0x38;
	[tilespmem:$0xC200] =	vst v63  }
0x29: {  	s7 =	sand.u32 $0x1FFFFFF0, s29;
	s8 =	sand.u32 $0x1FFFFFF0, s28;
	s28 =	spop (v2sf);
	(v2sf) =	vpush v0, $0xC  }
0x2a: {  	s7 =	sadd.s32 s3, s7;
	s28 =	sand.u32 $0x1FFFFFF0, s28;
	s29 =	spop (v2sf)  }
0x2b: {  	[tilespmem:s25], [sflag:$0x1] =	stream.linear.gather [hbm4b:s7+s16], $0x80, $0x38;
	(v2sf) =	vpush v0, $0xD;
	[tilespmem:$0xC200] =	vst v63  }
0x2c: {  	s7 =	sadd.s32 s3, s28;
	s25 =	sand.u32 $0x1FFFFFF0, s29;
	s28 =	spop (v2sf)  }
0x2d: {  	[tilespmem:s26], [sflag:$0x1] =	stream.linear.gather [hbm4b:s7+s16], $0x80, $0x38;
	(v2sf) =	vpush v0, $0xE;
	[tilespmem:$0xC200] =	vst v63  }
0x2e: {  	s7 =	sadd.s32 s3, s8;
	s8 =	sand.u32 $0x1FFFFFF0, s28;
	s26 =	spop (v2sf)  }
0x2f: {  	[tilespmem:s9], [sflag:$0x1] =	stream.linear.gather [hbm4b:s7+s16], $0x80, $0x38;
	(v2sf) =	vpush v0, $0xF;
	[tilespmem:$0xC200] =	vst v63  }
0x30: {  	s7 =	sadd.s32 s3, s25;
	s9 =	sand.u32 $0x1FFFFFF0, s26;
	s25 =	spop (v2sf)  }
0x31: {  	[tilespmem:s6], [sflag:$0x1] =	stream.linear.gather [hbm4b:s7+s16], $0x80, $0x38;
	[tilespmem:$0xC200] =	vst v63  }
0x32: {  	s6 =	sadd.s32 s3, s8;
	s7 =	sand.u32 $0x1FFFFFF0, s25;
	s8 =	spop (v2sf)  }
0x33: {  	[tilespmem:s10], [sflag:$0x1] =	stream.linear.gather [hbm4b:s6+s16], $0x80, $0x38;
	[tilespmem:$0xC200] =	vst v63  }
0x34: {  	s6 =	sadd.s32 s3, s9;
	s8 =	sand.u32 $0x1FFFFFF0, s8;
	s9 =	spop (v2sf)  }
0x35: {  	[tilespmem:s5], [sflag:$0x1] =	stream.linear.gather [hbm4b:s6+s16], $0x80, $0x38;
	[tilespmem:$0xC200] =	vst v63  }
0x36: {  	s6 =	sadd.s32 s3, s7;
	s7 =	sand.u32 $0x1FFFFFF0, s9;
	s9 =	spop (v2sf)  }
0x37: {  	[tilespmem:s0], [sflag:$0x1] =	stream.linear.gather [hbm4b:s6+s16], $0x80, $0x38;
	[tilespmem:$0xC200] =	vst v63  }
0x38: {  	s0 =	sadd.s32 s3, s8;
	s6 =	sand.u32 $0x1FFFFFF0, s9;
	s8 =	spop (v2sf)  }
0x39: {  	[tilespmem:s4], [sflag:$0x1] =	stream.linear.gather [hbm4b:s0+s16], $0x80, $0x38;
	[tilespmem:$0xC200] =	vst v63  }
0x3a: {  	s0 =	sadd.s32 s3, s7;
	s4 =	sand.u32 $0x1FFFFFF0, s8;
	s7 =	spop (v2sf)  }
0x3b: {  	[tilespmem:s1], [sflag:$0x1] =	stream.linear.gather [hbm4b:s0+s16], $0x80, $0x38;
	[tilespmem:$0xC200] =	vst v63  }
0x3c: {  	s0 =	sadd.s32 s3, s6;
	s1 =	sand.u32 $0x1FFFFFF0, s7;
	s6 =	spop (v2sf)  }
0x3d: {  	[tilespmem:s2], [sflag:$0x1] =	stream.linear.gather [hbm4b:s0+s16], $0x80, $0x38;
	[tilespmem:$0xC200] =	vst v63  }
0x3e: {  	s0 =	sadd.s32 s3, s4;
	s4 =	sand.u32 $0x1FFFFFF0, s6;
	s6 =	spop (v2sf)  }
0x3f: {  	[tilespmem:s11], [sflag:$0x1] =	stream.linear.gather [hbm4b:s0+s16], $0x80, $0x38;
	[tilespmem:$0xC200] =	vst v63  }
0x40: {  	s0 =	sadd.s32 s3, s1;
	s1 =	sand.u32 $0x1FFFFFF0, s6  }
0x41: {  	[tilespmem:s22], [sflag:$0x1] =	stream.linear.gather [hbm4b:s0+s16], $0x80, $0x38;
	[tilespmem:$0xC200] =	vst v63  }
0x42: {  	s4 =	sadd.s32 s3, s4;
	s0 =	sadd.s32 $0x900, s17  }
0x43: {  	[tilespmem:s0], [sflag:$0x1] =	stream.linear.gather [hbm4b:s4+s16], $0x80, $0x38;
	[tilespmem:$0xC200] =	vst v63  }
0x44: {  	s1 =	sadd.s32 s3, s1;
	s0 =	sadd.s32 $0x980, s17  }
0x45: {  	[tilespmem:s0], [sflag:$0x1] =	stream.linear.gather [hbm4b:s1+s16], $0x80, $0x38;
	[tilespmem:$0xC200] =	vst v63  }
0x46: {  	v0 =	vld [tilespmem:s19+$0x0];
	_ =	sdelay $0x4  }
0x47: {  	v0 =	vshll.u32 v0, $0x4  }
0x48: {  	(v2sf) =	vpush v0, $0x0  }
0x49: {  	(v2sf) =	vpush v0, $0x1  }
0x4a: {  	(v2sf) =	vpush v0, $0x2;
	_ =	sdelay $0x1  }
0x4b: {  	(v2sf) =	vpush v0, $0x4  }
.Ltmp0:
0x4c: {  	(pc) =	sbr.rel @p0 .LBB2_2-.Ltmp0, $3  }
0x4d: {  	(v2sf) =	vpush v0, $0x3  }
0x4e: {  	(v2sf) =	vpush v0, $0x5;
	_ =	sdelay $0x1  }
0x4f: {  	s17 =	sshra.s32 s20, $0x2;
	(v2sf) =	vpush v0, $0x6  }
0x50: {  	_ =	sdelay $0x1  }
0x51: {  	s6 =	sadd.s32 $0x280, s17;
	(v2sf) =	vpush v0, $0x7  }
0x52: {  	s4 =	sadd.s32 $0x780, s17;
	s7 =	sadd.s32 $0x580, s17;
	s0 =	sadd.s32 $0x800, s17  }
0x53: {  	s8 =	sadd.s32 $0x480, s17;
	s9 =	sadd.s32 $0x600, s17;
	s1 =	sadd.s32 $0x880, s17;
	(v2sf) =	vpush v0, $0x8  }
0x54: {  	s5 =	sadd.s32 $0x200, s17;
	s18 =	sadd.s32 $0x400, s17;
	s20 =	spop (v2sf)  }
0x55: {  	s19 =	sadd.s32 $0x500, s17;
	s20 =	sand.u32 $0x1FFFFFF0, s20;
	s22 =	spop (v2sf)  }
0x56: {  	s20 =	sadd.s32 s3, s20;
	s22 =	sand.u32 $0x1FFFFFF0, s22;
	s2 =	spop (v2sf)  }
0x57: {  	(v2sf) =	vpush v0, $0x9;
	[tilespmem:s5], [sflag:$0x1] =	stream.linear.gather [hbm4b:s20+s16], $0x80, $0x38;
	[tilespmem:$0xC200] =	vst v63  }
0x58: {  	s11 =	sadd.s32 $0x300, s17;
	s12 =	sadd.s32 s3, s22;
	s13 =	spop (v2sf)  }
0x59: {  	(v2sf) =	vpush v0, $0xA;
	[tilespmem:s6], [sflag:$0x1] =	stream.linear.gather [hbm4b:s12+s16], $0x80, $0x38;
	[tilespmem:$0xC200] =	vst v63  }
0x5a: {  	s10 =	sadd.s32 $0x380, s17;
	s14 =	sand.u32 $0x1FFFFFF0, s2;
	s15 =	spop (v2sf)  }
0x5b: {  	s5 =	sadd.s32 $0x700, s17;
	(v2sf) =	vpush v0, $0xB;
	s20 =	sadd.s32 s3, s14;
	s2 =	sand.u32 $0x1FFFFFF0, s15  }
0x5c: {  	[tilespmem:s11], [sflag:$0x1] =	stream.linear.gather [hbm4b:s20+s16], $0x80, $0x38;
	[tilespmem:$0xC200] =	vst v63  }
0x5d: {  	s6 =	sadd.s32 $0x680, s17;
	(v2sf) =	vpush v0, $0xC;
	s25 =	spop (v2sf);
	s26 =	sadd.s32 s3, s2  }
0x5e: {  	[tilespmem:s10], [sflag:$0x1] =	stream.linear.gather [hbm4b:s26+s16], $0x80, $0x38;
	[tilespmem:$0xC200] =	vst v63  }
0x5f: {  	s24 =	sand.u32 $0x1FFFFFF0, s13;
	(v2sf) =	vpush v0, $0xD;
	s28 =	sand.u32 $0x1FFFFFF0, s25;
	s29 =	spop (v2sf)  }
0x60: {  	s20 =	sadd.s32 s3, s24;
	s2 =	sadd.s32 s3, s28;
	s31 =	spop (v2sf)  }
0x61: {  	(v2sf) =	vpush v0, $0xE;
	[tilespmem:s18], [sflag:$0x1] =	stream.linear.gather [hbm4b:s20+s16], $0x80, $0x38;
	[tilespmem:$0xC200] =	vst v63  }
0x62: {  	s30 =	sand.u32 $0x1FFFFFF0, s29;
	s29 =	sadd.s32 $0x900, s17;
	s10 =	spop (v2sf)  }
0x63: {  	(v2sf) =	vpush v0, $0xF;
	[tilespmem:s8], [sflag:$0x1] =	stream.linear.gather [hbm4b:s2+s16], $0x80, $0x38;
	[tilespmem:$0xC200] =	vst v63  }
0x64: {  	s18 =	sadd.s32 s3, s30;
	s30 =	sadd.s32 $0x980, s17;
	s2 =	sand.u32 $0x1FFFFFF0, s31  }
0x65: {  	[tilespmem:s19], [sflag:$0x1] =	stream.linear.gather [hbm4b:s18+s16], $0x80, $0x38;
	[tilespmem:$0xC200] =	vst v63  }
0x66: {  	s11 =	sand.u32 $0x1FFFFFF0, s10;
	s8 =	sadd.s32 s3, s2;
	s12 =	spop (v2sf)  }
0x67: {  	[tilespmem:s7], [sflag:$0x1] =	stream.linear.gather [hbm4b:s8+s16], $0x80, $0x38;
	[tilespmem:$0xC200] =	vst v63  }
0x68: {  	s18 =	sadd.s32 s3, s11;
	s13 =	sand.u32 $0x1FFFFFF0, s12;
	s14 =	spop (v2sf)  }
0x69: {  	[tilespmem:s9], [sflag:$0x1] =	stream.linear.gather [hbm4b:s18+s16], $0x80, $0x38;
	[tilespmem:$0xC200] =	vst v63  }
0x6a: {  	s8 =	sand.u32 $0x1FFFFFF0, s14;
	s7 =	sadd.s32 s3, s13;
	s15 =	spop (v2sf)  }
0x6b: {  	[tilespmem:s6], [sflag:$0x1] =	stream.linear.gather [hbm4b:s7+s16], $0x80, $0x38;
	[tilespmem:$0xC200] =	vst v63  }
0x6c: {  	s8 =	sadd.s32 s3, s8;
	s18 =	sand.u32 $0x1FFFFFF0, s15;
	s19 =	spop (v2sf)  }
0x6d: {  	[tilespmem:s5], [sflag:$0x1] =	stream.linear.gather [hbm4b:s8+s16], $0x80, $0x38;
	[tilespmem:$0xC200] =	vst v63  }
0x6e: {  	s6 =	sadd.s32 s3, s18;
	s7 =	sand.u32 $0x1FFFFFF0, s19;
	s20 =	spop (v2sf)  }
0x6f: {  	[tilespmem:s4], [sflag:$0x1] =	stream.linear.gather [hbm4b:s6+s16], $0x80, $0x38;
	[tilespmem:$0xC200] =	vst v63  }
0x70: {  	s22 =	sand.u32 $0x1FFFFFF0, s20;
	s7 =	sadd.s32 s3, s7;
	s24 =	spop (v2sf)  }
0x71: {  	[tilespmem:s0], [sflag:$0x1] =	stream.linear.gather [hbm4b:s7+s16], $0x80, $0x38;
	[tilespmem:$0xC200] =	vst v63  }
0x72: {  	s25 =	sand.u32 $0x1FFFFFF0, s24;
	s26 =	spop (v2sf);
	s4 =	sadd.s32 s3, s22  }
0x73: {  	[tilespmem:s1], [sflag:$0x1] =	stream.linear.gather [hbm4b:s4+s16], $0x80, $0x38;
	[tilespmem:$0xC200] =	vst v63  }
0x74: {  	s17 =	sadd.s32 $0x0, s23;
	s28 =	sand.u32 $0x1FFFFFF0, s26;
	s0 =	sadd.s32 s3, s25  }
0x75: {  	[tilespmem:s29], [sflag:$0x1] =	stream.linear.gather [hbm4b:s0+s16], $0x80, $0x38;
	[tilespmem:$0xC200] =	vst v63  }
0x76: {  	s31 =	sand.u32 $0xF0, s16;
	s2 =	sadd.s32 $0x600, s17;
	s1 =	sadd.s32 s3, s28  }
0x77: {  	[tilespmem:s30], [sflag:$0x1] =	stream.linear.gather [hbm4b:s1+s16], $0x80, $0x38;
	[tilespmem:$0xC200] =	vst v63  }
0x78: {  	s18 =	simm.s32 $0x2000;
	s8 =	sadd.s32 $0x80, s17;
	s22 =	sadd.s32 $0x400, s17;
	v0 =	vld [tilespmem:s31+$0x100]  }
.LBB2_4:
0x79: {  	_ =	sdelay $0x3  }
0x7a: {  	v0 =	vshll.u32 v0, $0x4  }
0x7b: {  	(v2sf) =	vpush v0, $0xF  }
0x7c: {  	(v2sf) =	vpush v0, $0xE  }
0x7d: {  	(v2sf) =	vpush v0, $0xD  }
0x7e: {  	(v2sf) =	vpush v0, $0xC  }
0x7f: {  	(v2sf) =	vpush v0, $0xB  }
0x80: {  	s0 =	sshrl.u32 s8, $0x3;
	(v2sf) =	vpush v0, $0xA  }
0x81: {  	s14 =	sadd.s32 $0x680, s17;
	s16 =	sadd.s32 $0x10, s16;
	s1 =	smov.u32 s18;
	(v2sf) =	vpush v0, $0x9  }
0x82: {  	s19 =	sadd.s32 $0x700, s17;
	s4 =	sadd.s32 $0x780, s17;
	s6 =	sadd.s32 $0x100, s17;
	(v2sf) =	vpush v0, $0x6  }
0x83: {  	s7 =	sadd.s32 $0x200, s17;
	s24 =	sadd.s32 $0x480, s17;
	s29 =	sadd.s32 $0x180, s17;
	(v2sf) =	vpush v0, $0x8  }
0x84: {  	s30 =	sadd.s32 $0x380, s17;
	s31 =	sadd.s32 $0x300, s17;
	s9 =	sadd.s32 $0x580, s17;
	(v2sf) =	vpush v0, $0x7  }
0x85: {  	s26 =	sshrl.u32 s22, $0x3;
	s10 =	sadd.s32 $0x500, s17;
	[dreg:$0x6] =	wrdreg s0;
	(v2sf) =	vpush v0, $0x2  }
0x86: {  	s11 =	sadd.s32 $0x280, s17;
	[dreg:$0x4] =	wrdreg s1;
	s15 =	sand.u32 $0xF0, s16;
	(v2sf) =	vpush v0, $0x1  }
0x87: {  	s5 =	sshrl.u32 s6, $0x3;
	s20 =	sshrl.u32 s7, $0x3;
	s4 =	sshrl.u32 s4, $0x3;
	(v2sf) =	vpush v0, $0x5  }
0x88: {  	s1 =	sshrl.u32 s19, $0x3;
	s28 =	sshrl.u32 s9, $0x3;
	[dreg:$0x5] =	wrdreg s15;
	(v2sf) =	vpush v0, $0x3  }
0x89: {  	s25 =	sshrl.u32 s30, $0x3;
	s22 =	sshrl.u32 s10, $0x3;
	[dreg:$0x9] =	wrdreg s5;
	(v2sf) =	vpush v0, $0x4  }
0x8a: {  	s19 =	sshrl.u32 s24, $0x3;
	[dreg:$0x7] =	wrdreg s20;
	(v2sf) =	vpush v0, $0x0;
	s12 =	spop (v2sf)  }
0x8b: {  	s7 =	sshrl.u32 s11, $0x3;
	[dreg:$0x8] =	wrdreg s4;
	s15 =	spop (v2sf)  }
0x8c: {  	[dreg:$0xa] =	wrdreg s1;
	s5 =	sshrl.u32 s2, $0x3;
	s30 =	spop (v2sf)  }
0x8d: {  	s20 =	sshrl.u32 s29, $0x3;
	s4 =	sshrl.u32 s31, $0x3;
	s31 =	spop (v2sf)  }
0x8e: {  	s29 =	sshrl.u32 s14, $0x3;
	[dreg:$0xb] =	wrdreg s5;
	s0 =	spop (v2sf)  }
0x8f: {  	s13 =	sand.u32 $0x1FFFFFF0, s12;
	s12 =	sshrl.u32 s17, $0x3;
	s1 =	spop (v2sf)  }
0x90: {  	s24 =	sand.u32 $0x1FFFFFF0, s15;
	s17 =	sadd.s32 s3, s13;
	s5 =	spop (v2sf)  }
0x91: {  	s9 =	sand.u32 $0x1FFFFFF0, s30;
	s6 =	sadd.s32 s3, s24;
	s11 =	spop (v2sf)  }
0x92: {  	s2 =	sand.u32 $0x1FFFFFF0, s31;
	s8 =	sadd.s32 s3, s9;
	s24 =	spop (v2sf)  }
0x93: {  	s14 =	sand.u32 $0x1FFFFFF0, s0;
	s9 =	sadd.s32 s3, s2;
	s30 =	spop (v2sf)  }
0x94: {  	s10 =	sand.u32 $0x1FFFFFF0, s1;
	s13 =	sand.u32 $0x1FFFFFF0, s11;
	s11 =	spop (v2sf)  }
0x95: {  	s14 =	sadd.s32 s3, s14;
	s1 =	smov.u32 s23;
	s31 =	spop (v2sf)  }
0x96: {  	s15 =	sand.u32 $0x1FFFFFF0, s5;
	s0 =	sand.u32 $0x1FFFFFF0, s30;
	s30 =	spop (v2sf)  }
0x97: {  	s10 =	sadd.s32 s3, s10;
	s23 =	sand.u32 $0x1FFFFFF0, s31;
	s31 =	spop (v2sf)  }
0x98: {  	s2 =	sand.u32 $0x1FFFFFF0, s24;
	s5 =	sadd.s32 s3, s13;
	s13 =	spop (v2sf)  }
0x99: {  	s15 =	sadd.s32 s3, s15;
	s2 =	sadd.s32 s3, s2;
	s24 =	spop (v2sf)  }
0x9a: {  	s11 =	sand.u32 $0x1FFFFFF0, s11;
	s0 =	sadd.s32 s3, s0;
	s24 =	sand.u32 $0x1FFFFFF0, s24  }
0x9b: {  	s11 =	sadd.s32 s3, s11;
	s30 =	sand.u32 $0x1FFFFFF0, s30;
	s24 =	sadd.s32 s3, s24  }
0x9c: {  	[spmem:s12], [sflag:s21] =	dma.local [hbm:s24], $0x10  }
0x9d: {  	s23 =	sadd.s32 s3, s23;
	s31 =	sand.u32 $0x1FFFFFF0, s31;
	s12 =	rddreg [dreg:$0x6]  }
0x9e: {  	[spmem:s12], [sflag:s21] =	dma.local [hbm:s23], $0x10  }
0x9f: {  	s13 =	sand.u32 $0x1FFFFFF0, s13;
	s31 =	sadd.s32 s3, s31;
	s12 =	rddreg [dreg:$0x9]  }
0xa0: {  	[spmem:s12], [sflag:s21] =	dma.local [hbm:s11], $0x10  }
0xa1: {  	[spmem:s20], [sflag:s21] =	dma.local [hbm:s31], $0x10  }
0xa2: {  	s30 =	sadd.s32 s3, s30;
	s13 =	sadd.s32 s3, s13;
	s24 =	rddreg [dreg:$0x7]  }
0xa3: {  	[spmem:s24], [sflag:s21] =	dma.local [hbm:s13], $0x10  }
0xa4: {  	[spmem:s7], [sflag:s21] =	dma.local [hbm:s30], $0x10  }
0xa5: {  	[spmem:s4], [sflag:s21] =	dma.local [hbm:s5], $0x10  }
0xa6: {  	[spmem:s25], [sflag:s21] =	dma.local [hbm:s0], $0x10  }
0xa7: {  	[spmem:s26], [sflag:s21] =	dma.local [hbm:s2], $0x10  }
0xa8: {  	[spmem:s19], [sflag:s21] =	dma.local [hbm:s15], $0x10  }
0xa9: {  	[spmem:s22], [sflag:s21] =	dma.local [hbm:s10], $0x10  }
0xaa: {  	[spmem:s28], [sflag:s21] =	dma.local [hbm:s14], $0x10  }
0xab: {  	s28 =	rddreg [dreg:$0xb]  }
0xac: {  	[spmem:s28], [sflag:s21] =	dma.local [hbm:s9], $0x10  }
0xad: {  	[spmem:s29], [sflag:s21] =	dma.local [hbm:s8], $0x10  }
0xae: {  	s30 =	rddreg [dreg:$0xa]  }
0xaf: {  	[spmem:s30], [sflag:s21] =	dma.local [hbm:s6], $0x10  }
0xb0: {  	p0 =	sne.s32 s18, $0x1E000;
	s0 =	rddreg [dreg:$0x8]  }
0xb1: {  	[spmem:s0], [sflag:s21] =	dma.local [hbm:s17], $0x10  }
.Ltmp1:
0xb2: {  	_ = 	snop;
	(pc) =	sbr.rel @p0 .LBB2_4-.Ltmp1, $4  }
0xb3: {  	s0 =	rddreg [dreg:$0x4]  }
0xb4: {  	s23 =	smov.u32 s1;
	s0 =	sshra.s32 s0, $0x2  }
0xb5: {  	s18 =	sadd.s32 $0x2000, s18;
	s31 =	rddreg [dreg:$0x5];
	s17 =	sadd.s32 s0, s23  }
0xb6: {  	v0 =	vld [tilespmem:s31+$0x100];
	s8 =	sadd.s32 $0x80, s17;
	s22 =	sadd.s32 $0x400, s17;
	s2 =	sadd.s32 $0x600, s17  }
0xb7: {  	_ =	sdelay $0x3  }
0xb8: {  	v0 =	vshll.u32 v0, $0x4  }
0xb9: {  	(v2sf) =	vpush v0, $0xF  }
0xba: {  	(v2sf) =	vpush v0, $0xE  }
0xbb: {  	(v2sf) =	vpush v0, $0xD  }
0xbc: {  	(v2sf) =	vpush v0, $0xC  }
0xbd: {  	(v2sf) =	vpush v0, $0xB  }
0xbe: {  	(v2sf) =	vpush v0, $0xA  }
0xbf: {  	(v2sf) =	vpush v0, $0x9  }
0xc0: {  	(v2sf) =	vpush v0, $0x6  }
0xc1: {  	(v2sf) =	vpush v0, $0x8  }
0xc2: {  	(v2sf) =	vpush v0, $0x7  }
0xc3: {  	(v2sf) =	vpush v0, $0x2  }
0xc4: {  	(v2sf) =	vpush v0, $0x1  }
0xc5: {  	(v2sf) =	vpush v0, $0x5  }
0xc6: {  	(v2sf) =	vpush v0, $0x3  }
0xc7: {  	(v2sf) =	vpush v0, $0x4  }
0xc8: {  	(v2sf) =	vpush v0, $0x0;
	s0 =	spop (v2sf)  }
0xc9: {  	s1 =	spop (v2sf)  }
0xca: {  	s4 =	spop (v2sf)  }
0xcb: {  	s6 =	spop (v2sf)  }
0xcc: {  	s7 =	spop (v2sf)  }
0xcd: {  	s5 =	spop (v2sf)  }
0xce: {  	s9 =	spop (v2sf)  }
0xcf: {  	s10 =	spop (v2sf)  }
0xd0: {  	s11 =	spop (v2sf)  }
0xd1: {  	s12 =	spop (v2sf)  }
0xd2: {  	s13 =	spop (v2sf)  }
0xd3: {  	s14 =	spop (v2sf)  }
0xd4: {  	s20 =	sshrl.u32 s17, $0x3;
	s15 =	spop (v2sf)  }
0xd5: {  	s8 =	sshrl.u32 s8, $0x3;
	s24 =	sadd.s32 $0x200, s17;
	s16 =	spop (v2sf)  }
0xd6: {  	s26 =	sadd.s32 $0x280, s17;
	s29 =	sadd.s32 $0x300, s17;
	s18 =	spop (v2sf)  }
0xd7: {  	s30 =	sadd.s32 $0x380, s17;
	s2 =	sshrl.u32 s2, $0x3;
	s19 =	spop (v2sf)  }
0xd8: {  	s0 =	sand.u32 $0x1FFFFFF0, s0;
	s14 =	sand.u32 $0x1FFFFFF0, s14;
	s19 =	sand.u32 $0x1FFFFFF0, s19  }
0xd9: {  	s13 =	sand.u32 $0x1FFFFFF0, s13;
	s14 =	sadd.s32 s3, s14;
	s19 =	sadd.s32 s3, s19  }
0xda: {  	[spmem:s20], [sflag:s21] =	dma.local [hbm:s19], $0x10  }
0xdb: {  	[spmem:s8], [sflag:s21] =	dma.local [hbm:s14], $0x10  }
0xdc: {  	s1 =	sand.u32 $0x1FFFFFF0, s1;
	s13 =	sadd.s32 s3, s13;
	s14 =	sadd.s32 $0x100, s17  }
0xdd: {  	s19 =	sadd.s32 $0x180, s17;
	s20 =	sand.u32 $0x1FFFFFF0, s16;
	s8 =	sshrl.u32 s14, $0x3  }
0xde: {  	[spmem:s8], [sflag:s21] =	dma.local [hbm:s13], $0x10  }
0xdf: {  	s25 =	sand.u32 $0x1FFFFFF0, s18;
	s8 =	sshrl.u32 s19, $0x3;
	s13 =	sadd.s32 s3, s20  }
0xe0: {  	[spmem:s8], [sflag:s21] =	dma.local [hbm:s13], $0x10  }
0xe1: {  	s28 =	sand.u32 $0x1FFFFFF0, s15;
	s8 =	sshrl.u32 s24, $0x3;
	s13 =	sadd.s32 s3, s25  }
0xe2: {  	[spmem:s8], [sflag:s21] =	dma.local [hbm:s13], $0x10  }
0xe3: {  	s10 =	sand.u32 $0x1FFFFFF0, s10;
	s8 =	sshrl.u32 s26, $0x3;
	s13 =	sadd.s32 s3, s28  }
0xe4: {  	[spmem:s8], [sflag:s21] =	dma.local [hbm:s13], $0x10  }
0xe5: {  	s10 =	sadd.s32 s3, s10;
	s31 =	sand.u32 $0x1FFFFFF0, s12;
	s8 =	sshrl.u32 s29, $0x3  }
0xe6: {  	[spmem:s8], [sflag:s21] =	dma.local [hbm:s10], $0x10  }
0xe7: {  	s7 =	sand.u32 $0x1FFFFFF0, s7;
	s8 =	sshrl.u32 s30, $0x3;
	s10 =	sadd.s32 s3, s31  }
0xe8: {  	[spmem:s8], [sflag:s21] =	dma.local [hbm:s10], $0x10  }
0xe9: {  	s5 =	sand.u32 $0x1FFFFFF0, s5;
	s9 =	sand.u32 $0x1FFFFFF0, s9;
	s10 =	sand.u32 $0x1FFFFFF0, s11  }
0xea: {  	s12 =	sadd.s32 $0x480, s17;
	s11 =	sshrl.u32 s22, $0x3;
	s8 =	sadd.s32 s3, s10  }
0xeb: {  	[spmem:s11], [sflag:s21] =	dma.local [hbm:s8], $0x10  }
0xec: {  	s9 =	sadd.s32 s3, s9;
	s13 =	sadd.s32 $0x500, s17;
	s8 =	sshrl.u32 s12, $0x3  }
0xed: {  	[spmem:s8], [sflag:s21] =	dma.local [hbm:s9], $0x10  }
0xee: {  	s5 =	sadd.s32 s3, s5;
	s14 =	sadd.s32 $0x580, s17;
	s8 =	sshrl.u32 s13, $0x3  }
0xef: {  	[spmem:s8], [sflag:s21] =	dma.local [hbm:s5], $0x10  }
0xf0: {  	s7 =	sadd.s32 s3, s7;
	s15 =	sand.u32 $0x1FFFFFF0, s6;
	s5 =	sshrl.u32 s14, $0x3  }
0xf1: {  	[spmem:s5], [sflag:s21] =	dma.local [hbm:s7], $0x10  }
0xf2: {  	s4 =	sand.u32 $0x1FFFFFF0, s4;
	s16 =	sadd.s32 $0x680, s17;
	s5 =	sadd.s32 s3, s15  }
0xf3: {  	[spmem:s2], [sflag:s21] =	dma.local [hbm:s5], $0x10  }
0xf4: {  	s4 =	sadd.s32 s3, s4;
	s18 =	sadd.s32 $0x700, s17;
	s2 =	sshrl.u32 s16, $0x3  }
0xf5: {  	[spmem:s2], [sflag:s21] =	dma.local [hbm:s4], $0x10  }
0xf6: {  	s1 =	sadd.s32 s3, s1;
	s19 =	sadd.s32 $0x780, s17;
	s2 =	sshrl.u32 s18, $0x3  }
0xf7: {  	[spmem:s2], [sflag:s21] =	dma.local [hbm:s1], $0x10  }
0xf8: {  	s0 =	sadd.s32 s3, s0;
	s20 =	simm.s32 $0x1;
	s1 =	sshrl.u32 s19, $0x3  }
0xf9: {  	[spmem:s1], [sflag:s21] =	dma.local [hbm:s0], $0x10  }
0xfa: {  	_ =	swait.ge [sflag:s20], $0x8000  }
0xfb: {  	s24 =	simm.s32 $0x200;
	s5 =	simm.s32 $0x3;
	[sflag:s20] =	ssyncset.done $0x0  }
0xfc: {  	s2 =	simm.s32 $0x0;
	s22 =	rddreg [dreg:$0xd];
	[sflag:s20] =	ssyncadd.s32 $0xFFFF8000  }
0xfd: {  	[hbm4b:s22+s2] =	stream.linear.scatter [tilespmem:s24], [sflag:$0x3], $0x8000, $0x38;
	[tilespmem:$0xC200] =	vst v63  }
0xfe: {  	_ =	swait.ge [sflag:s5], $0x8000  }
0xff: {  	[sflag:s5] =	ssyncset.done $0x0  }
0x100: {  	s25 =	simm.s32 $0x2;
	[sflag:s5] =	ssyncadd.s32 $0xFFFF8000  }
0x101: {  	_ =	swait.ge [sflag:s25], $0x1000  }
0x102: {  	s28 =	sshrl.u32 s23, $0x3;
	[sflag:s25] =	ssyncset.done $0x0;
	s26 =	rddreg [dreg:$0x10]  }
0x103: {  	s29 =	rddreg [dreg:$0xe];
	[sflag:s25] =	ssyncadd.s32 $0xFFFFF000;
	s0 =	sor.u32 $0x1C03, s26  }
0x104: {  	[hbm:s29], [sflag:s0] =	dma.local [spmem:s28], $0x1000  }
0x105: {  	_ =	swait.ge [sflag:s5], $0x1000  }
0x106: {  	s30 =	rddreg [dreg:$0x11]  }
0x107: {  	s31 =	rddreg [dreg:$0xf];
	s1 =	sadd.s32 $0x1, s30  }
0x108: {  	p0 =	sne.s32 s1, s31  }
.Ltmp2:
0x109: {  	_ = 	snop;
	(pc) =	sbr.rel @p0 .LBB2_1-.Ltmp2, $3  }
0x10a: {  	_ =	sdelay $0x1  }
0x10b: {  	[sflag:s5] =	ssyncset.done $0x0  }
0x10c: {  	[sflag:s5] =	ssyncadd.s32 $0xFFFFF000  }
0x10d: {  	_ =	sfence.sel $0x180000  }
0x10e: {  	[bflag:$0x0] =	sbarrier.arrive $0xFFFF  }
0x10f: {  	_ =	strace $0x90000047  }
0x110: {  	s0 =	stileid.u32;
	[bflag:$0x2] =	sbarrier.arrive $0xFFFF  }
0x111: {  	p0 =	sne.s32 s0, $0x0;
	s0 =	rddreg [dreg:$0x3]  }
0x112: {  	s0 =	sadd.s32 @!p0 $0x100000, s0  }
0x113: {  	[sflag:s0] =	ssyncadd.tile.s32 @!p0 $0x1;
	_ =	shalt  }
.Lfunc_end2:
_tile_overlayer_lowered:
.L_overlay_start_2:
0x114: {  	(tag) =	ssettag $0x2  }
0x115: {  	s0 =	rddreg [dreg:$0x0];
	s2 =	stileid.u32  }
0x116: {  	s1 =	rddreg [dreg:$0x1];
	p0 =	sne.s32 s2, $0x0  }
0x117: {  	s3 =	rddreg [dreg:$0x2];
	[bflag:$0x3] =	sbarrier.arrive $0xFFFF;
	s2 =	simm.s32 @!p0 $0x1C03  }
0x118: {  	[timem:s3], [sflag:s2] =	dma.local @!p0 [hbm:s0], s1  }
0x119: {  	s0 =	simm.s32 @!p0 $0x3  }
0x11a: {  	_ =	swait.ge @!p0 [sflag:s0], s1  }
0x11b: {  	s1 =	ssub.s32 @!p0 $0x0, s1;
	[sflag:s0] =	ssyncset.done @!p0 $0x0  }
0x11c: {  	[sflag:s0] =	ssyncadd.s32 @!p0 s1  }
0x11d: {  	[bflag:$0x3] =	sbarrier.arrive $0xFFFF  }
0x11e: {  	_ =	shalt  }

</sc_bundles>
